<compile_context>
chip_gen: v7x
topology: tpu7x:2x2x1
jax: 0.10.2.dev20260603
libtpu: 0.0.44.dev20260713+nightly
codegen_flags: <defaults>
</compile_context>

<pallas_src>
import functools

import jax
import jax.numpy as jnp
from jax import lax
from jax.experimental import pallas as pl
from jax.experimental.pallas import tpu as pltpu
from jax.experimental.pallas import tpu_sc as plsc

EMB_DIM = 64
NC = 2
NS = 16
NW = NC * NS
CHUNK = 400
NBUF = 4
LOOKAHEAD = 2


@functools.partial(jax.jit, static_argnames=("total",))
def _embed(table, flat_idx, *, total):
    b_per_w = total // NW
    n_chunks = b_per_w // CHUNK
    n_groups = n_chunks // NBUF

    def body(table_hbm, idx_hbm, out_hbm, idx_all,
             r0, r1, r2, r3, g0, g1, g2, g3, o0, o1, o2, o3):
        rows = (r0, r1, r2, r3)
        gsem = (g0, g1, g2, g3)
        osem = (o0, o1, o2, o3)
        wid = lax.axis_index("s") * NC + lax.axis_index("c")
        base = wid * b_per_w

        pltpu.sync_copy(idx_hbm.at[pl.ds(base, b_per_w)], idx_all)

        def start_gather(c, j):
            idx = idx_all.at[pl.ds(c * CHUNK, CHUNK)]
            pltpu.async_copy(table_hbm.at[idx], rows[j], gsem[j])

        def start_out(c, j):
            dst = out_hbm.at[pl.ds(base + c * CHUNK, CHUNK)]
            pltpu.async_copy(rows[j], dst, osem[j])

        def wait_gather(j):
            idx = idx_all.at[pl.ds(0, CHUNK)]
            pltpu.make_async_copy(table_hbm.at[idx], rows[j], gsem[j]).wait()

        def wait_out(c, j):
            dst = out_hbm.at[pl.ds(base + c * CHUNK, CHUNK)]
            pltpu.make_async_copy(rows[j], dst, osem[j]).wait()

        def slot(c, j, first, last):
            jn = (j + LOOKAHEAD) % NBUF
            if not last:
                if not first:
                    wait_out(c + LOOKAHEAD - NBUF, jn)
                start_gather(c + LOOKAHEAD, jn)
            wait_gather(j)
            start_out(c, j)

        for j in range(LOOKAHEAD):
            start_gather(j, j)

        for j in range(NBUF):
            slot(j, j, first=(j < NBUF - LOOKAHEAD), last=False)

        def group(t, _):
            for j in range(NBUF):
                slot(t * NBUF + j, j, first=False, last=False)
            return 0

        lax.fori_loop(1, n_groups - 1, group, 0)

        for j in range(NBUF):
            c = (n_groups - 1) * NBUF + j
            slot(c, j, first=False, last=(c + LOOKAHEAD >= n_chunks))
        for j in range(NBUF):
            wait_out((n_groups - 1) * NBUF + j, j)

    run = pl.kernel(
        body,
        out_type=jax.ShapeDtypeStruct((total, EMB_DIM), jnp.float32),
        mesh=plsc.VectorSubcoreMesh(
            core_axis_name="c", subcore_axis_name="s",
            num_cores=NC, num_subcores=NS,
        ),
        scratch_types=(
            [pltpu.VMEM((b_per_w,), jnp.int32)]
            + [pltpu.VMEM((CHUNK, EMB_DIM), jnp.float32)] * NBUF
            + [pltpu.SemaphoreType.DMA] * (2 * NBUF)
        ),
        compiler_params=pltpu.CompilerParams(use_tc_tiling_on_sc=False),
    )
    return run(table, flat_idx)


def kernel(x, emb_weight):
    b, l = x.shape
    total = b * l
    flat = x.reshape(total).astype(jnp.int32)
    out = _embed(emb_weight, flat, total=total)
    return out.reshape(b, l, EMB_DIM)

# --- scband reference (transcript-rebuilt; emitter-appended) ---
"""Pipeline reference for scband-word-embedding-88940182766058 (READ-ONLY COPY).

The authoritative reference and input builder live on the scoring server;
editing this copy changes nothing except your own understanding.
"""

import jax, jax.numpy as jnp
import numpy as np

NTOKEN = 1000000
EMB_DIM = 64
B = 4096
L = 200

def setup_inputs(seed: int = 0) -> dict:
    key = jax.random.key(seed)
    k1, k2 = jax.random.split(key)
    x = jax.random.randint(k1, (B, L), 0, NTOKEN, dtype=jnp.int64 if jax.config.jax_enable_x64 else jnp.int32)
    emb_weight = jax.random.normal(k2, (NTOKEN + 1, EMB_DIM), dtype=jnp.float32)
    # padding_idx = NTOKEN -> zero row, matching nn.Embedding(padding_idx=ntoken)
    emb_weight = emb_weight.at[NTOKEN].set(0.0)
    return {"x": x, "emb_weight": emb_weight}

def reference(x, emb_weight):
    # WordEmbedding.forward with op='' and dropout p=0.0:
    # emb = self.emb(x); return self.dropout(emb)  (dropout is identity at p=0)
    emb = jnp.take(emb_weight, x, axis=0)
    return emb

if __name__ == "__main__":
    import jax
    _d = setup_inputs()
    print(jax.jit(kernel)(*tuple(_d.values())))

</pallas_src>

<mosaic_0001>
#map = affine_map<(d0, d1) -> (0, 0)>
#map1 = affine_map<(d0, d1) -> (0)>
module attributes {stable_mosaic.version = 14 : i64} {
  func.func @body(%arg0: i32, %arg1: i32, %arg2: memref<1000001x64xf32, #tpu.memory_space<hbm>>, %arg3: memref<819200xi32, #tpu.memory_space<hbm>>, %arg4: memref<819200x64xf32, #tpu.memory_space<hbm>>, %arg5: memref<25600xi32, #tpu.memory_space<vmem>>, %arg6: memref<400x64xf32, #tpu.memory_space<vmem>>, %arg7: memref<400x64xf32, #tpu.memory_space<vmem>>, %arg8: memref<400x64xf32, #tpu.memory_space<vmem>>, %arg9: memref<400x64xf32, #tpu.memory_space<vmem>>, %arg10: memref<!tpu.dma_semaphore, #tpu.memory_space<semaphore_mem>>, %arg11: memref<!tpu.dma_semaphore, #tpu.memory_space<semaphore_mem>>, %arg12: memref<!tpu.dma_semaphore, #tpu.memory_space<semaphore_mem>>, %arg13: memref<!tpu.dma_semaphore, #tpu.memory_space<semaphore_mem>>, %arg14: memref<!tpu.dma_semaphore, #tpu.memory_space<semaphore_mem>>, %arg15: memref<!tpu.dma_semaphore, #tpu.memory_space<semaphore_mem>>, %arg16: memref<!tpu.dma_semaphore, #tpu.memory_space<semaphore_mem>>, %arg17: memref<!tpu.dma_semaphore, #tpu.memory_space<semaphore_mem>>) attributes {dimension_semantics = [#tpu.dimension_semantics<core_parallel>, #tpu.dimension_semantics<subcore_parallel>], iteration_bounds = array<i64: 2, 16>, scalar_prefetch = 0 : i64, scratch_operands = 13 : i64, tpu.core_type = #tpu.core_type<sc_vector_subcore>, window_params = [{transform_indices = #map}, {transform_indices = #map1}, {transform_indices = #map}]} {
    %mul3A = arith.constant 2 : i32
    %mul3A_0 = arith.muli %arg1, %mul3A : i32
    %add3A = arith.addi %mul3A_0, %arg0 : i32
    %mul3A_1 = arith.constant 25600 : i32
    %mul3A_2 = arith.muli %add3A, %mul3A_1 : i32
    "tpu.region"() ({
      %run_scoped3A = tpu.sem_alloc : memref<!tpu.dma_semaphore, #tpu.memory_space<semaphore_mem>>
      %dma_start3A_183 = tpu.memref_slice %arg3[%mul3A_2] : memref<819200xi32, #tpu.memory_space<hbm>> -> memref<25600xi32, #tpu.memory_space<hbm>>
      %dma_start3A_184 = tpu.memref_slice %arg3[%mul3A_2] : memref<819200xi32, #tpu.memory_space<hbm>> -> memref<25600xi32, #tpu.memory_space<hbm>>
      tpu.enqueue_dma source(%dma_start3A_184 : memref<25600xi32, #tpu.memory_space<hbm>>) target(%arg5 : memref<25600xi32, #tpu.memory_space<vmem>>) target_semaphore(%run_scoped3A : memref<!tpu.dma_semaphore, #tpu.memory_space<semaphore_mem>>)
      %dma_wait3A_185 = tpu.memref_slice %arg3[%mul3A_2] : memref<819200xi32, #tpu.memory_space<hbm>> -> memref<25600xi32, #tpu.memory_space<hbm>>
      %dma_wait3A_186 = tpu.memref_slice %arg3[%mul3A_2] : memref<819200xi32, #tpu.memory_space<hbm>> -> memref<25600xi32, #tpu.memory_space<hbm>>
      tpu.wait_dma2 semaphore(%run_scoped3A : memref<!tpu.dma_semaphore, #tpu.memory_space<semaphore_mem>>) src(%dma_wait3A_186 : memref<25600xi32, #tpu.memory_space<hbm>>) dst(%arg5 : memref<25600xi32, #tpu.memory_space<vmem>>)
      tpu.yield
    }) : () -> ()
    %dma_start3A = arith.constant 0 : i32
    %dma_start3A_3 = tpu.memref_slice %arg5[%dma_start3A] : memref<25600xi32, #tpu.memory_space<vmem>> -> memref<400xi32, #tpu.memory_space<vmem>>
    %dma_start3A_4 = arith.constant 0 : i32
    %dma_start3A_5 = arith.constant 0 : i32
    %dma_start3A_6 = tpu.memref_slice %arg2[%dma_start3A_4, %dma_start3A_5] : memref<1000001x64xf32, #tpu.memory_space<hbm>> -> memref<1000001x64xf32, #tpu.memory_space<hbm>>
    tpu.enqueue_indirect_dma source(%dma_start3A_6 : memref<1000001x64xf32, #tpu.memory_space<hbm>>) target(%arg6 : memref<400x64xf32, #tpu.memory_space<vmem>>) offsets(%dma_start3A_3 : memref<400xi32, #tpu.memory_space<vmem>>) semaphore(%arg10 : memref<!tpu.dma_semaphore, #tpu.memory_space<semaphore_mem>>)
    %dma_start3A_7 = arith.constant 400 : i32
    %dma_start3A_8 = tpu.memref_slice %arg5[%dma_start3A_7] : memref<25600xi32, #tpu.memory_space<vmem>> -> memref<400xi32, #tpu.memory_space<vmem>>
    %dma_start3A_9 = arith.constant 0 : i32
    %dma_start3A_10 = arith.constant 0 : i32
    %dma_start3A_11 = tpu.memref_slice %arg2[%dma_start3A_9, %dma_start3A_10] : memref<1000001x64xf32, #tpu.memory_space<hbm>> -> memref<1000001x64xf32, #tpu.memory_space<hbm>>
    tpu.enqueue_indirect_dma source(%dma_start3A_11 : memref<1000001x64xf32, #tpu.memory_space<hbm>>) target(%arg7 : memref<400x64xf32, #tpu.memory_space<vmem>>) offsets(%dma_start3A_8 : memref<400xi32, #tpu.memory_space<vmem>>) semaphore(%arg11 : memref<!tpu.dma_semaphore, #tpu.memory_space<semaphore_mem>>)
    %dma_start3A_12 = arith.constant 800 : i32
    %dma_start3A_13 = tpu.memref_slice %arg5[%dma_start3A_12] : memref<25600xi32, #tpu.memory_space<vmem>> -> memref<400xi32, #tpu.memory_space<vmem>>
    %dma_start3A_14 = arith.constant 0 : i32
    %dma_start3A_15 = arith.constant 0 : i32
    %dma_start3A_16 = tpu.memref_slice %arg2[%dma_start3A_14, %dma_start3A_15] : memref<1000001x64xf32, #tpu.memory_space<hbm>> -> memref<1000001x64xf32, #tpu.memory_space<hbm>>
    tpu.enqueue_indirect_dma source(%dma_start3A_16 : memref<1000001x64xf32, #tpu.memory_space<hbm>>) target(%arg8 : memref<400x64xf32, #tpu.memory_space<vmem>>) offsets(%dma_start3A_13 : memref<400xi32, #tpu.memory_space<vmem>>) semaphore(%arg12 : memref<!tpu.dma_semaphore, #tpu.memory_space<semaphore_mem>>)
    %dma_wait3A = arith.constant 0 : i32
    %dma_wait3A_17 = tpu.memref_slice %arg5[%dma_wait3A] : memref<25600xi32, #tpu.memory_space<vmem>> -> memref<400xi32, #tpu.memory_space<vmem>>
    %dma_wait3A_18 = arith.constant 0 : i32
    %dma_wait3A_19 = arith.constant 0 : i32
    %dma_wait3A_20 = tpu.memref_slice %arg2[%dma_wait3A_18, %dma_wait3A_19] : memref<1000001x64xf32, #tpu.memory_space<hbm>> -> memref<1000001x64xf32, #tpu.memory_space<hbm>>
    tpu.wait_indirect_dma semaphore(%arg10 : memref<!tpu.dma_semaphore, #tpu.memory_space<semaphore_mem>>) src(%dma_wait3A_20 : memref<1000001x64xf32, #tpu.memory_space<hbm>>) dst(%arg6 : memref<400x64xf32, #tpu.memory_space<vmem>>)
    %add3A_21 = arith.constant 0 : i32
    %add3A_22 = arith.addi %mul3A_2, %add3A_21 : i32
    %dma_start3A_23 = arith.constant 0 : i32
    %dma_start3A_24 = tpu.memref_slice %arg4[%add3A_22, %dma_start3A_23] : memref<819200x64xf32, #tpu.memory_space<hbm>> -> memref<400x64xf32, #tpu.memory_space<hbm>>
    %dma_start3A_25 = arith.constant 0 : i32
    %dma_start3A_26 = tpu.memref_slice %arg4[%add3A_22, %dma_start3A_25] : memref<819200x64xf32, #tpu.memory_space<hbm>> -> memref<400x64xf32, #tpu.memory_space<hbm>>
    tpu.enqueue_dma source(%arg6 : memref<400x64xf32, #tpu.memory_space<vmem>>) target(%dma_start3A_26 : memref<400x64xf32, #tpu.memory_space<hbm>>) target_semaphore(%arg14 : memref<!tpu.dma_semaphore, #tpu.memory_space<semaphore_mem>>)
    %dma_start3A_27 = arith.constant 1200 : i32
    %dma_start3A_28 = tpu.memref_slice %arg5[%dma_start3A_27] : memref<25600xi32, #tpu.memory_space<vmem>> -> memref<400xi32, #tpu.memory_space<vmem>>
    %dma_start3A_29 = arith.constant 0 : i32
    %dma_start3A_30 = arith.constant 0 : i32
    %dma_start3A_31 = tpu.memref_slice %arg2[%dma_start3A_29, %dma_start3A_30] : memref<1000001x64xf32, #tpu.memory_space<hbm>> -> memref<1000001x64xf32, #tpu.memory_space<hbm>>
    tpu.enqueue_indirect_dma source(%dma_start3A_31 : memref<1000001x64xf32, #tpu.memory_space<hbm>>) target(%arg9 : memref<400x64xf32, #tpu.memory_space<vmem>>) offsets(%dma_start3A_28 : memref<400xi32, #tpu.memory_space<vmem>>) semaphore(%arg13 : memref<!tpu.dma_semaphore, #tpu.memory_space<semaphore_mem>>)
    %dma_wait3A_32 = arith.constant 0 : i32
    %dma_wait3A_33 = tpu.memref_slice %arg5[%dma_wait3A_32] : memref<25600xi32, #tpu.memory_space<vmem>> -> memref<400xi32, #tpu.memory_space<vmem>>
    %dma_wait3A_34 = arith.constant 0 : i32
    %dma_wait3A_35 = arith.constant 0 : i32
    %dma_wait3A_36 = tpu.memref_slice %arg2[%dma_wait3A_34, %dma_wait3A_35] : memref<1000001x64xf32, #tpu.memory_space<hbm>> -> memref<1000001x64xf32, #tpu.memory_space<hbm>>
    tpu.wait_indirect_dma semaphore(%arg11 : memref<!tpu.dma_semaphore, #tpu.memory_space<semaphore_mem>>) src(%dma_wait3A_36 : memref<1000001x64xf32, #tpu.memory_space<hbm>>) dst(%arg7 : memref<400x64xf32, #tpu.memory_space<vmem>>)
    %add3A_37 = arith.constant 400 : i32
    %add3A_38 = arith.addi %mul3A_2, %add3A_37 : i32
    %dma_start3A_39 = arith.constant 0 : i32
    %dma_start3A_40 = tpu.memref_slice %arg4[%add3A_38, %dma_start3A_39] : memref<819200x64xf32, #tpu.memory_space<hbm>> -> memref<400x64xf32, #tpu.memory_space<hbm>>
    %dma_start3A_41 = arith.constant 0 : i32
    %dma_start3A_42 = tpu.memref_slice %arg4[%add3A_38, %dma_start3A_41] : memref<819200x64xf32, #tpu.memory_space<hbm>> -> memref<400x64xf32, #tpu.memory_space<hbm>>
    tpu.enqueue_dma source(%arg7 : memref<400x64xf32, #tpu.memory_space<vmem>>) target(%dma_start3A_42 : memref<400x64xf32, #tpu.memory_space<hbm>>) target_semaphore(%arg15 : memref<!tpu.dma_semaphore, #tpu.memory_space<semaphore_mem>>)
    %add3A_43 = arith.constant 0 : i32
    %add3A_44 = arith.addi %mul3A_2, %add3A_43 : i32
    %dma_wait3A_45 = arith.constant 0 : i32
    %dma_wait3A_46 = tpu.memref_slice %arg4[%add3A_44, %dma_wait3A_45] : memref<819200x64xf32, #tpu.memory_space<hbm>> -> memref<400x64xf32, #tpu.memory_space<hbm>>
    %dma_wait3A_47 = arith.constant 0 : i32
    %dma_wait3A_48 = tpu.memref_slice %arg4[%add3A_44, %dma_wait3A_47] : memref<819200x64xf32, #tpu.memory_space<hbm>> -> memref<400x64xf32, #tpu.memory_space<hbm>>
    tpu.wait_dma2 semaphore(%arg14 : memref<!tpu.dma_semaphore, #tpu.memory_space<semaphore_mem>>) src(%arg6 : memref<400x64xf32, #tpu.memory_space<vmem>>) dst(%dma_wait3A_48 : memref<400x64xf32, #tpu.memory_space<hbm>>)
    %dma_start3A_49 = arith.constant 1600 : i32
    %dma_start3A_50 = tpu.memref_slice %arg5[%dma_start3A_49] : memref<25600xi32, #tpu.memory_space<vmem>> -> memref<400xi32, #tpu.memory_space<vmem>>
    %dma_start3A_51 = arith.constant 0 : i32
    %dma_start3A_52 = arith.constant 0 : i32
    %dma_start3A_53 = tpu.memref_slice %arg2[%dma_start3A_51, %dma_start3A_52] : memref<1000001x64xf32, #tpu.memory_space<hbm>> -> memref<1000001x64xf32, #tpu.memory_space<hbm>>
    tpu.enqueue_indirect_dma source(%dma_start3A_53 : memref<1000001x64xf32, #tpu.memory_space<hbm>>) target(%arg6 : memref<400x64xf32, #tpu.memory_space<vmem>>) offsets(%dma_start3A_50 : memref<400xi32, #tpu.memory_space<vmem>>) semaphore(%arg10 : memref<!tpu.dma_semaphore, #tpu.memory_space<semaphore_mem>>)
    %dma_wait3A_54 = arith.constant 0 : i32
    %dma_wait3A_55 = tpu.memref_slice %arg5[%dma_wait3A_54] : memref<25600xi32, #tpu.memory_space<vmem>> -> memref<400xi32, #tpu.memory_space<vmem>>
    %dma_wait3A_56 = arith.constant 0 : i32
    %dma_wait3A_57 = arith.constant 0 : i32
    %dma_wait3A_58 = tpu.memref_slice %arg2[%dma_wait3A_56, %dma_wait3A_57] : memref<1000001x64xf32, #tpu.memory_space<hbm>> -> memref<1000001x64xf32, #tpu.memory_space<hbm>>
    tpu.wait_indirect_dma semaphore(%arg12 : memref<!tpu.dma_semaphore, #tpu.memory_space<semaphore_mem>>) src(%dma_wait3A_58 : memref<1000001x64xf32, #tpu.memory_space<hbm>>) dst(%arg8 : memref<400x64xf32, #tpu.memory_space<vmem>>)
    %add3A_59 = arith.constant 800 : i32
    %add3A_60 = arith.addi %mul3A_2, %add3A_59 : i32
    %dma_start3A_61 = arith.constant 0 : i32
    %dma_start3A_62 = tpu.memref_slice %arg4[%add3A_60, %dma_start3A_61] : memref<819200x64xf32, #tpu.memory_space<hbm>> -> memref<400x64xf32, #tpu.memory_space<hbm>>
    %dma_start3A_63 = arith.constant 0 : i32
    %dma_start3A_64 = tpu.memref_slice %arg4[%add3A_60, %dma_start3A_63] : memref<819200x64xf32, #tpu.memory_space<hbm>> -> memref<400x64xf32, #tpu.memory_space<hbm>>
    tpu.enqueue_dma source(%arg8 : memref<400x64xf32, #tpu.memory_space<vmem>>) target(%dma_start3A_64 : memref<400x64xf32, #tpu.memory_space<hbm>>) target_semaphore(%arg16 : memref<!tpu.dma_semaphore, #tpu.memory_space<semaphore_mem>>)
    %add3A_65 = arith.constant 400 : i32
    %add3A_66 = arith.addi %mul3A_2, %add3A_65 : i32
    %dma_wait3A_67 = arith.constant 0 : i32
    %dma_wait3A_68 = tpu.memref_slice %arg4[%add3A_66, %dma_wait3A_67] : memref<819200x64xf32, #tpu.memory_space<hbm>> -> memref<400x64xf32, #tpu.memory_space<hbm>>
    %dma_wait3A_69 = arith.constant 0 : i32
    %dma_wait3A_70 = tpu.memref_slice %arg4[%add3A_66, %dma_wait3A_69] : memref<819200x64xf32, #tpu.memory_space<hbm>> -> memref<400x64xf32, #tpu.memory_space<hbm>>
    tpu.wait_dma2 semaphore(%arg15 : memref<!tpu.dma_semaphore, #tpu.memory_space<semaphore_mem>>) src(%arg7 : memref<400x64xf32, #tpu.memory_space<vmem>>) dst(%dma_wait3A_70 : memref<400x64xf32, #tpu.memory_space<hbm>>)
    %dma_start3A_71 = arith.constant 2000 : i32
    %dma_start3A_72 = tpu.memref_slice %arg5[%dma_start3A_71] : memref<25600xi32, #tpu.memory_space<vmem>> -> memref<400xi32, #tpu.memory_space<vmem>>
    %dma_start3A_73 = arith.constant 0 : i32
    %dma_start3A_74 = arith.constant 0 : i32
    %dma_start3A_75 = tpu.memref_slice %arg2[%dma_start3A_73, %dma_start3A_74] : memref<1000001x64xf32, #tpu.memory_space<hbm>> -> memref<1000001x64xf32, #tpu.memory_space<hbm>>
    tpu.enqueue_indirect_dma source(%dma_start3A_75 : memref<1000001x64xf32, #tpu.memory_space<hbm>>) target(%arg7 : memref<400x64xf32, #tpu.memory_space<vmem>>) offsets(%dma_start3A_72 : memref<400xi32, #tpu.memory_space<vmem>>) semaphore(%arg11 : memref<!tpu.dma_semaphore, #tpu.memory_space<semaphore_mem>>)
    %dma_wait3A_76 = arith.constant 0 : i32
    %dma_wait3A_77 = tpu.memref_slice %arg5[%dma_wait3A_76] : memref<25600xi32, #tpu.memory_space<vmem>> -> memref<400xi32, #tpu.memory_space<vmem>>
    %dma_wait3A_78 = arith.constant 0 : i32
    %dma_wait3A_79 = arith.constant 0 : i32
    %dma_wait3A_80 = tpu.memref_slice %arg2[%dma_wait3A_78, %dma_wait3A_79] : memref<1000001x64xf32, #tpu.memory_space<hbm>> -> memref<1000001x64xf32, #tpu.memory_space<hbm>>
    tpu.wait_indirect_dma semaphore(%arg13 : memref<!tpu.dma_semaphore, #tpu.memory_space<semaphore_mem>>) src(%dma_wait3A_80 : memref<1000001x64xf32, #tpu.memory_space<hbm>>) dst(%arg9 : memref<400x64xf32, #tpu.memory_space<vmem>>)
    %add3A_81 = arith.constant 1200 : i32
    %add3A_82 = arith.addi %mul3A_2, %add3A_81 : i32
    %dma_start3A_83 = arith.constant 0 : i32
    %dma_start3A_84 = tpu.memref_slice %arg4[%add3A_82, %dma_start3A_83] : memref<819200x64xf32, #tpu.memory_space<hbm>> -> memref<400x64xf32, #tpu.memory_space<hbm>>
    %dma_start3A_85 = arith.constant 0 : i32
    %dma_start3A_86 = tpu.memref_slice %arg4[%add3A_82, %dma_start3A_85] : memref<819200x64xf32, #tpu.memory_space<hbm>> -> memref<400x64xf32, #tpu.memory_space<hbm>>
    tpu.enqueue_dma source(%arg9 : memref<400x64xf32, #tpu.memory_space<vmem>>) target(%dma_start3A_86 : memref<400x64xf32, #tpu.memory_space<hbm>>) target_semaphore(%arg17 : memref<!tpu.dma_semaphore, #tpu.memory_space<semaphore_mem>>)
    %scan3A = arith.constant 0 : i32
    %scan3A_87 = arith.constant 1 : i32
    %scan3A_88 = arith.constant 14 : i32
    %scan3A_89 = arith.addi %scan3A_87, %scan3A_88 : i32
    %scan3A_90 = arith.constant 1 : i32
    %scan3A_91 = scf.for %scan3A_183 = %scan3A_87 to %scan3A_89 step %scan3A_90 iter_args(%scan3A_184 = %scan3A) -> (i32)  : i32 {
      %mul3A_185 = arith.constant 4 : i32
      %mul3A_186 = arith.muli %scan3A_183, %mul3A_185 : i32
      %add3A_187 = arith.constant 0 : i32
      %add3A_188 = arith.addi %mul3A_186, %add3A_187 : i32
      %add3A_189 = arith.constant 2 : i32
      %add3A_190 = arith.addi %add3A_188, %add3A_189 : i32
      %sub3A = arith.constant 4 : i32
      %sub3A_191 = arith.subi %add3A_190, %sub3A : i32
      %mul3A_192 = arith.constant 400 : i32
      %mul3A_193 = arith.muli %sub3A_191, %mul3A_192 : i32
      %add3A_194 = arith.addi %mul3A_2, %mul3A_193 : i32
      %dma_wait3A_195 = arith.constant 0 : i32
      %dma_wait3A_196 = tpu.memref_slice %arg4[%add3A_194, %dma_wait3A_195] : memref<819200x64xf32, #tpu.memory_space<hbm>> -> memref<400x64xf32, #tpu.memory_space<hbm>>
      %dma_wait3A_197 = arith.constant 0 : i32
      %dma_wait3A_198 = tpu.memref_slice %arg4[%add3A_194, %dma_wait3A_197] : memref<819200x64xf32, #tpu.memory_space<hbm>> -> memref<400x64xf32, #tpu.memory_space<hbm>>
      tpu.wait_dma2 semaphore(%arg16 : memref<!tpu.dma_semaphore, #tpu.memory_space<semaphore_mem>>) src(%arg8 : memref<400x64xf32, #tpu.memory_space<vmem>>) dst(%dma_wait3A_198 : memref<400x64xf32, #tpu.memory_space<hbm>>)
      %add3A_199 = arith.constant 2 : i32
      %add3A_200 = arith.addi %add3A_188, %add3A_199 : i32
      %mul3A_201 = arith.constant 400 : i32
      %mul3A_202 = arith.muli %add3A_200, %mul3A_201 : i32
      %dma_start3A_203 = tpu.memref_slice %arg5[%mul3A_202] : memref<25600xi32, #tpu.memory_space<vmem>> -> memref<400xi32, #tpu.memory_space<vmem>>
      %dma_start3A_204 = arith.constant 0 : i32
      %dma_start3A_205 = arith.constant 0 : i32
      %dma_start3A_206 = tpu.memref_slice %arg2[%dma_start3A_204, %dma_start3A_205] : memref<1000001x64xf32, #tpu.memory_space<hbm>> -> memref<1000001x64xf32, #tpu.memory_space<hbm>>
      tpu.enqueue_indirect_dma source(%dma_start3A_206 : memref<1000001x64xf32, #tpu.memory_space<hbm>>) target(%arg8 : memref<400x64xf32, #tpu.memory_space<vmem>>) offsets(%dma_start3A_203 : memref<400xi32, #tpu.memory_space<vmem>>) semaphore(%arg12 : memref<!tpu.dma_semaphore, #tpu.memory_space<semaphore_mem>>)
      %dma_wait3A_207 = arith.constant 0 : i32
      %dma_wait3A_208 = tpu.memref_slice %arg5[%dma_wait3A_207] : memref<25600xi32, #tpu.memory_space<vmem>> -> memref<400xi32, #tpu.memory_space<vmem>>
      %dma_wait3A_209 = arith.constant 0 : i32
      %dma_wait3A_210 = arith.constant 0 : i32
      %dma_wait3A_211 = tpu.memref_slice %arg2[%dma_wait3A_209, %dma_wait3A_210] : memref<1000001x64xf32, #tpu.memory_space<hbm>> -> memref<1000001x64xf32, #tpu.memory_space<hbm>>
      tpu.wait_indirect_dma semaphore(%arg10 : memref<!tpu.dma_semaphore, #tpu.memory_space<semaphore_mem>>) src(%dma_wait3A_211 : memref<1000001x64xf32, #tpu.memory_space<hbm>>) dst(%arg6 : memref<400x64xf32, #tpu.memory_space<vmem>>)
      %mul3A_212 = arith.constant 400 : i32
      %mul3A_213 = arith.muli %add3A_188, %mul3A_212 : i32
      %add3A_214 = arith.addi %mul3A_2, %mul3A_213 : i32
      %dma_start3A_215 = arith.constant 0 : i32
      %dma_start3A_216 = tpu.memref_slice %arg4[%add3A_214, %dma_start3A_215] : memref<819200x64xf32, #tpu.memory_space<hbm>> -> memref<400x64xf32, #tpu.memory_space<hbm>>
      %dma_start3A_217 = arith.constant 0 : i32
      %dma_start3A_218 = tpu.memref_slice %arg4[%add3A_214, %dma_start3A_217] : memref<819200x64xf32, #tpu.memory_space<hbm>> -> memref<400x64xf32, #tpu.memory_space<hbm>>
      tpu.enqueue_dma source(%arg6 : memref<400x64xf32, #tpu.memory_space<vmem>>) target(%dma_start3A_218 : memref<400x64xf32, #tpu.memory_space<hbm>>) target_semaphore(%arg14 : memref<!tpu.dma_semaphore, #tpu.memory_space<semaphore_mem>>)
      %mul3A_219 = arith.constant 4 : i32
      %mul3A_220 = arith.muli %scan3A_183, %mul3A_219 : i32
      %add3A_221 = arith.constant 1 : i32
      %add3A_222 = arith.addi %mul3A_220, %add3A_221 : i32
      %add3A_223 = arith.constant 2 : i32
      %add3A_224 = arith.addi %add3A_222, %add3A_223 : i32
      %sub3A_225 = arith.constant 4 : i32
      %sub3A_226 = arith.subi %add3A_224, %sub3A_225 : i32
      %mul3A_227 = arith.constant 400 : i32
      %mul3A_228 = arith.muli %sub3A_226, %mul3A_227 : i32
      %add3A_229 = arith.addi %mul3A_2, %mul3A_228 : i32
      %dma_wait3A_230 = arith.constant 0 : i32
      %dma_wait3A_231 = tpu.memref_slice %arg4[%add3A_229, %dma_wait3A_230] : memref<819200x64xf32, #tpu.memory_space<hbm>> -> memref<400x64xf32, #tpu.memory_space<hbm>>
      %dma_wait3A_232 = arith.constant 0 : i32
      %dma_wait3A_233 = tpu.memref_slice %arg4[%add3A_229, %dma_wait3A_232] : memref<819200x64xf32, #tpu.memory_space<hbm>> -> memref<400x64xf32, #tpu.memory_space<hbm>>
      tpu.wait_dma2 semaphore(%arg17 : memref<!tpu.dma_semaphore, #tpu.memory_space<semaphore_mem>>) src(%arg9 : memref<400x64xf32, #tpu.memory_space<vmem>>) dst(%dma_wait3A_233 : memref<400x64xf32, #tpu.memory_space<hbm>>)
      %add3A_234 = arith.constant 2 : i32
      %add3A_235 = arith.addi %add3A_222, %add3A_234 : i32
      %mul3A_236 = arith.constant 400 : i32
      %mul3A_237 = arith.muli %add3A_235, %mul3A_236 : i32
      %dma_start3A_238 = tpu.memref_slice %arg5[%mul3A_237] : memref<25600xi32, #tpu.memory_space<vmem>> -> memref<400xi32, #tpu.memory_space<vmem>>
      %dma_start3A_239 = arith.constant 0 : i32
      %dma_start3A_240 = arith.constant 0 : i32
      %dma_start3A_241 = tpu.memref_slice %arg2[%dma_start3A_239, %dma_start3A_240] : memref<1000001x64xf32, #tpu.memory_space<hbm>> -> memref<1000001x64xf32, #tpu.memory_space<hbm>>
      tpu.enqueue_indirect_dma source(%dma_start3A_241 : memref<1000001x64xf32, #tpu.memory_space<hbm>>) target(%arg9 : memref<400x64xf32, #tpu.memory_space<vmem>>) offsets(%dma_start3A_238 : memref<400xi32, #tpu.memory_space<vmem>>) semaphore(%arg13 : memref<!tpu.dma_semaphore, #tpu.memory_space<semaphore_mem>>)
      %dma_wait3A_242 = arith.constant 0 : i32
      %dma_wait3A_243 = tpu.memref_slice %arg5[%dma_wait3A_242] : memref<25600xi32, #tpu.memory_space<vmem>> -> memref<400xi32, #tpu.memory_space<vmem>>
      %dma_wait3A_244 = arith.constant 0 : i32
      %dma_wait3A_245 = arith.constant 0 : i32
      %dma_wait3A_246 = tpu.memref_slice %arg2[%dma_wait3A_244, %dma_wait3A_245] : memref<1000001x64xf32, #tpu.memory_space<hbm>> -> memref<1000001x64xf32, #tpu.memory_space<hbm>>
      tpu.wait_indirect_dma semaphore(%arg11 : memref<!tpu.dma_semaphore, #tpu.memory_space<semaphore_mem>>) src(%dma_wait3A_246 : memref<1000001x64xf32, #tpu.memory_space<hbm>>) dst(%arg7 : memref<400x64xf32, #tpu.memory_space<vmem>>)
      %mul3A_247 = arith.constant 400 : i32
      %mul3A_248 = arith.muli %add3A_222, %mul3A_247 : i32
      %add3A_249 = arith.addi %mul3A_2, %mul3A_248 : i32
      %dma_start3A_250 = arith.constant 0 : i32
      %dma_start3A_251 = tpu.memref_slice %arg4[%add3A_249, %dma_start3A_250] : memref<819200x64xf32, #tpu.memory_space<hbm>> -> memref<400x64xf32, #tpu.memory_space<hbm>>
      %dma_start3A_252 = arith.constant 0 : i32
      %dma_start3A_253 = tpu.memref_slice %arg4[%add3A_249, %dma_start3A_252] : memref<819200x64xf32, #tpu.memory_space<hbm>> -> memref<400x64xf32, #tpu.memory_space<hbm>>
      tpu.enqueue_dma source(%arg7 : memref<400x64xf32, #tpu.memory_space<vmem>>) target(%dma_start3A_253 : memref<400x64xf32, #tpu.memory_space<hbm>>) target_semaphore(%arg15 : memref<!tpu.dma_semaphore, #tpu.memory_space<semaphore_mem>>)
      %mul3A_254 = arith.constant 4 : i32
      %mul3A_255 = arith.muli %scan3A_183, %mul3A_254 : i32
      %add3A_256 = arith.constant 2 : i32
      %add3A_257 = arith.addi %mul3A_255, %add3A_256 : i32
      %add3A_258 = arith.constant 2 : i32
      %add3A_259 = arith.addi %add3A_257, %add3A_258 : i32
      %sub3A_260 = arith.constant 4 : i32
      %sub3A_261 = arith.subi %add3A_259, %sub3A_260 : i32
      %mul3A_262 = arith.constant 400 : i32
      %mul3A_263 = arith.muli %sub3A_261, %mul3A_262 : i32
      %add3A_264 = arith.addi %mul3A_2, %mul3A_263 : i32
      %dma_wait3A_265 = arith.constant 0 : i32
      %dma_wait3A_266 = tpu.memref_slice %arg4[%add3A_264, %dma_wait3A_265] : memref<819200x64xf32, #tpu.memory_space<hbm>> -> memref<400x64xf32, #tpu.memory_space<hbm>>
      %dma_wait3A_267 = arith.constant 0 : i32
      %dma_wait3A_268 = tpu.memref_slice %arg4[%add3A_264, %dma_wait3A_267] : memref<819200x64xf32, #tpu.memory_space<hbm>> -> memref<400x64xf32, #tpu.memory_space<hbm>>
      tpu.wait_dma2 semaphore(%arg14 : memref<!tpu.dma_semaphore, #tpu.memory_space<semaphore_mem>>) src(%arg6 : memref<400x64xf32, #tpu.memory_space<vmem>>) dst(%dma_wait3A_268 : memref<400x64xf32, #tpu.memory_space<hbm>>)
      %add3A_269 = arith.constant 2 : i32
      %add3A_270 = arith.addi %add3A_257, %add3A_269 : i32
      %mul3A_271 = arith.constant 400 : i32
      %mul3A_272 = arith.muli %add3A_270, %mul3A_271 : i32
      %dma_start3A_273 = tpu.memref_slice %arg5[%mul3A_272] : memref<25600xi32, #tpu.memory_space<vmem>> -> memref<400xi32, #tpu.memory_space<vmem>>
      %dma_start3A_274 = arith.constant 0 : i32
      %dma_start3A_275 = arith.constant 0 : i32
      %dma_start3A_276 = tpu.memref_slice %arg2[%dma_start3A_274, %dma_start3A_275] : memref<1000001x64xf32, #tpu.memory_space<hbm>> -> memref<1000001x64xf32, #tpu.memory_space<hbm>>
      tpu.enqueue_indirect_dma source(%dma_start3A_276 : memref<1000001x64xf32, #tpu.memory_space<hbm>>) target(%arg6 : memref<400x64xf32, #tpu.memory_space<vmem>>) offsets(%dma_start3A_273 : memref<400xi32, #tpu.memory_space<vmem>>) semaphore(%arg10 : memref<!tpu.dma_semaphore, #tpu.memory_space<semaphore_mem>>)
      %dma_wait3A_277 = arith.constant 0 : i32
      %dma_wait3A_278 = tpu.memref_slice %arg5[%dma_wait3A_277] : memref<25600xi32, #tpu.memory_space<vmem>> -> memref<400xi32, #tpu.memory_space<vmem>>
      %dma_wait3A_279 = arith.constant 0 : i32
      %dma_wait3A_280 = arith.constant 0 : i32
      %dma_wait3A_281 = tpu.memref_slice %arg2[%dma_wait3A_279, %dma_wait3A_280] : memref<1000001x64xf32, #tpu.memory_space<hbm>> -> memref<1000001x64xf32, #tpu.memory_space<hbm>>
      tpu.wait_indirect_dma semaphore(%arg12 : memref<!tpu.dma_semaphore, #tpu.memory_space<semaphore_mem>>) src(%dma_wait3A_281 : memref<1000001x64xf32, #tpu.memory_space<hbm>>) dst(%arg8 : memref<400x64xf32, #tpu.memory_space<vmem>>)
      %mul3A_282 = arith.constant 400 : i32
      %mul3A_283 = arith.muli %add3A_257, %mul3A_282 : i32
      %add3A_284 = arith.addi %mul3A_2, %mul3A_283 : i32
      %dma_start3A_285 = arith.constant 0 : i32
      %dma_start3A_286 = tpu.memref_slice %arg4[%add3A_284, %dma_start3A_285] : memref<819200x64xf32, #tpu.memory_space<hbm>> -> memref<400x64xf32, #tpu.memory_space<hbm>>
      %dma_start3A_287 = arith.constant 0 : i32
      %dma_start3A_288 = tpu.memref_slice %arg4[%add3A_284, %dma_start3A_287] : memref<819200x64xf32, #tpu.memory_space<hbm>> -> memref<400x64xf32, #tpu.memory_space<hbm>>
      tpu.enqueue_dma source(%arg8 : memref<400x64xf32, #tpu.memory_space<vmem>>) target(%dma_start3A_288 : memref<400x64xf32, #tpu.memory_space<hbm>>) target_semaphore(%arg16 : memref<!tpu.dma_semaphore, #tpu.memory_space<semaphore_mem>>)
      %mul3A_289 = arith.constant 4 : i32
      %mul3A_290 = arith.muli %scan3A_183, %mul3A_289 : i32
      %add3A_291 = arith.constant 3 : i32
      %add3A_292 = arith.addi %mul3A_290, %add3A_291 : i32
      %add3A_293 = arith.constant 2 : i32
      %add3A_294 = arith.addi %add3A_292, %add3A_293 : i32
      %sub3A_295 = arith.constant 4 : i32
      %sub3A_296 = arith.subi %add3A_294, %sub3A_295 : i32
      %mul3A_297 = arith.constant 400 : i32
      %mul3A_298 = arith.muli %sub3A_296, %mul3A_297 : i32
      %add3A_299 = arith.addi %mul3A_2, %mul3A_298 : i32
      %dma_wait3A_300 = arith.constant 0 : i32
      %dma_wait3A_301 = tpu.memref_slice %arg4[%add3A_299, %dma_wait3A_300] : memref<819200x64xf32, #tpu.memory_space<hbm>> -> memref<400x64xf32, #tpu.memory_space<hbm>>
      %dma_wait3A_302 = arith.constant 0 : i32
      %dma_wait3A_303 = tpu.memref_slice %arg4[%add3A_299, %dma_wait3A_302] : memref<819200x64xf32, #tpu.memory_space<hbm>> -> memref<400x64xf32, #tpu.memory_space<hbm>>
      tpu.wait_dma2 semaphore(%arg15 : memref<!tpu.dma_semaphore, #tpu.memory_space<semaphore_mem>>) src(%arg7 : memref<400x64xf32, #tpu.memory_space<vmem>>) dst(%dma_wait3A_303 : memref<400x64xf32, #tpu.memory_space<hbm>>)
      %add3A_304 = arith.constant 2 : i32
      %add3A_305 = arith.addi %add3A_292, %add3A_304 : i32
      %mul3A_306 = arith.constant 400 : i32
      %mul3A_307 = arith.muli %add3A_305, %mul3A_306 : i32
      %dma_start3A_308 = tpu.memref_slice %arg5[%mul3A_307] : memref<25600xi32, #tpu.memory_space<vmem>> -> memref<400xi32, #tpu.memory_space<vmem>>
      %dma_start3A_309 = arith.constant 0 : i32
      %dma_start3A_310 = arith.constant 0 : i32
      %dma_start3A_311 = tpu.memref_slice %arg2[%dma_start3A_309, %dma_start3A_310] : memref<1000001x64xf32, #tpu.memory_space<hbm>> -> memref<1000001x64xf32, #tpu.memory_space<hbm>>
      tpu.enqueue_indirect_dma source(%dma_start3A_311 : memref<1000001x64xf32, #tpu.memory_space<hbm>>) target(%arg7 : memref<400x64xf32, #tpu.memory_space<vmem>>) offsets(%dma_start3A_308 : memref<400xi32, #tpu.memory_space<vmem>>) semaphore(%arg11 : memref<!tpu.dma_semaphore, #tpu.memory_space<semaphore_mem>>)
      %dma_wait3A_312 = arith.constant 0 : i32
      %dma_wait3A_313 = tpu.memref_slice %arg5[%dma_wait3A_312] : memref<25600xi32, #tpu.memory_space<vmem>> -> memref<400xi32, #tpu.memory_space<vmem>>
      %dma_wait3A_314 = arith.constant 0 : i32
      %dma_wait3A_315 = arith.constant 0 : i32
      %dma_wait3A_316 = tpu.memref_slice %arg2[%dma_wait3A_314, %dma_wait3A_315] : memref<1000001x64xf32, #tpu.memory_space<hbm>> -> memref<1000001x64xf32, #tpu.memory_space<hbm>>
      tpu.wait_indirect_dma semaphore(%arg13 : memref<!tpu.dma_semaphore, #tpu.memory_space<semaphore_mem>>) src(%dma_wait3A_316 : memref<1000001x64xf32, #tpu.memory_space<hbm>>) dst(%arg9 : memref<400x64xf32, #tpu.memory_space<vmem>>)
      %mul3A_317 = arith.constant 400 : i32
      %mul3A_318 = arith.muli %add3A_292, %mul3A_317 : i32
      %add3A_319 = arith.addi %mul3A_2, %mul3A_318 : i32
      %dma_start3A_320 = arith.constant 0 : i32
      %dma_start3A_321 = tpu.memref_slice %arg4[%add3A_319, %dma_start3A_320] : memref<819200x64xf32, #tpu.memory_space<hbm>> -> memref<400x64xf32, #tpu.memory_space<hbm>>
      %dma_start3A_322 = arith.constant 0 : i32
      %dma_start3A_323 = tpu.memref_slice %arg4[%add3A_319, %dma_start3A_322] : memref<819200x64xf32, #tpu.memory_space<hbm>> -> memref<400x64xf32, #tpu.memory_space<hbm>>
      tpu.enqueue_dma source(%arg9 : memref<400x64xf32, #tpu.memory_space<vmem>>) target(%dma_start3A_323 : memref<400x64xf32, #tpu.memory_space<hbm>>) target_semaphore(%arg17 : memref<!tpu.dma_semaphore, #tpu.memory_space<semaphore_mem>>)
      %scan3A_324 = arith.constant 0 : i32
      scf.yield %scan3A_324 : i32
    }
    %scan3A_92 = arith.constant 14 : i32
    %add3A_93 = arith.constant 23200 : i32
    %add3A_94 = arith.addi %mul3A_2, %add3A_93 : i32
    %dma_wait3A_95 = arith.constant 0 : i32
    %dma_wait3A_96 = tpu.memref_slice %arg4[%add3A_94, %dma_wait3A_95] : memref<819200x64xf32, #tpu.memory_space<hbm>> -> memref<400x64xf32, #tpu.memory_space<hbm>>
    %dma_wait3A_97 = arith.constant 0 : i32
    %dma_wait3A_98 = tpu.memref_slice %arg4[%add3A_94, %dma_wait3A_97] : memref<819200x64xf32, #tpu.memory_space<hbm>> -> memref<400x64xf32, #tpu.memory_space<hbm>>
    tpu.wait_dma2 semaphore(%arg16 : memref<!tpu.dma_semaphore, #tpu.memory_space<semaphore_mem>>) src(%arg8 : memref<400x64xf32, #tpu.memory_space<vmem>>) dst(%dma_wait3A_98 : memref<400x64xf32, #tpu.memory_space<hbm>>)
    %dma_start3A_99 = arith.constant 24800 : i32
    %dma_start3A_100 = tpu.memref_slice %arg5[%dma_start3A_99] : memref<25600xi32, #tpu.memory_space<vmem>> -> memref<400xi32, #tpu.memory_space<vmem>>
    %dma_start3A_101 = arith.constant 0 : i32
    %dma_start3A_102 = arith.constant 0 : i32
    %dma_start3A_103 = tpu.memref_slice %arg2[%dma_start3A_101, %dma_start3A_102] : memref<1000001x64xf32, #tpu.memory_space<hbm>> -> memref<1000001x64xf32, #tpu.memory_space<hbm>>
    tpu.enqueue_indirect_dma source(%dma_start3A_103 : memref<1000001x64xf32, #tpu.memory_space<hbm>>) target(%arg8 : memref<400x64xf32, #tpu.memory_space<vmem>>) offsets(%dma_start3A_100 : memref<400xi32, #tpu.memory_space<vmem>>) semaphore(%arg12 : memref<!tpu.dma_semaphore, #tpu.memory_space<semaphore_mem>>)
    %dma_wait3A_104 = arith.constant 0 : i32
    %dma_wait3A_105 = tpu.memref_slice %arg5[%dma_wait3A_104] : memref<25600xi32, #tpu.memory_space<vmem>> -> memref<400xi32, #tpu.memory_space<vmem>>
    %dma_wait3A_106 = arith.constant 0 : i32
    %dma_wait3A_107 = arith.constant 0 : i32
    %dma_wait3A_108 = tpu.memref_slice %arg2[%dma_wait3A_106, %dma_wait3A_107] : memref<1000001x64xf32, #tpu.memory_space<hbm>> -> memref<1000001x64xf32, #tpu.memory_space<hbm>>
    tpu.wait_indirect_dma semaphore(%arg10 : memref<!tpu.dma_semaphore, #tpu.memory_space<semaphore_mem>>) src(%dma_wait3A_108 : memref<1000001x64xf32, #tpu.memory_space<hbm>>) dst(%arg6 : memref<400x64xf32, #tpu.memory_space<vmem>>)
    %add3A_109 = arith.constant 24000 : i32
    %add3A_110 = arith.addi %mul3A_2, %add3A_109 : i32
    %dma_start3A_111 = arith.constant 0 : i32
    %dma_start3A_112 = tpu.memref_slice %arg4[%add3A_110, %dma_start3A_111] : memref<819200x64xf32, #tpu.memory_space<hbm>> -> memref<400x64xf32, #tpu.memory_space<hbm>>
    %dma_start3A_113 = arith.constant 0 : i32
    %dma_start3A_114 = tpu.memref_slice %arg4[%add3A_110, %dma_start3A_113] : memref<819200x64xf32, #tpu.memory_space<hbm>> -> memref<400x64xf32, #tpu.memory_space<hbm>>
    tpu.enqueue_dma source(%arg6 : memref<400x64xf32, #tpu.memory_space<vmem>>) target(%dma_start3A_114 : memref<400x64xf32, #tpu.memory_space<hbm>>) target_semaphore(%arg14 : memref<!tpu.dma_semaphore, #tpu.memory_space<semaphore_mem>>)
    %add3A_115 = arith.constant 23600 : i32
    %add3A_116 = arith.addi %mul3A_2, %add3A_115 : i32
    %dma_wait3A_117 = arith.constant 0 : i32
    %dma_wait3A_118 = tpu.memref_slice %arg4[%add3A_116, %dma_wait3A_117] : memref<819200x64xf32, #tpu.memory_space<hbm>> -> memref<400x64xf32, #tpu.memory_space<hbm>>
    %dma_wait3A_119 = arith.constant 0 : i32
    %dma_wait3A_120 = tpu.memref_slice %arg4[%add3A_116, %dma_wait3A_119] : memref<819200x64xf32, #tpu.memory_space<hbm>> -> memref<400x64xf32, #tpu.memory_space<hbm>>
    tpu.wait_dma2 semaphore(%arg17 : memref<!tpu.dma_semaphore, #tpu.memory_space<semaphore_mem>>) src(%arg9 : memref<400x64xf32, #tpu.memory_space<vmem>>) dst(%dma_wait3A_120 : memref<400x64xf32, #tpu.memory_space<hbm>>)
    %dma_start3A_121 = arith.constant 25200 : i32
    %dma_start3A_122 = tpu.memref_slice %arg5[%dma_start3A_121] : memref<25600xi32, #tpu.memory_space<vmem>> -> memref<400xi32, #tpu.memory_space<vmem>>
    %dma_start3A_123 = arith.constant 0 : i32
    %dma_start3A_124 = arith.constant 0 : i32
    %dma_start3A_125 = tpu.memref_slice %arg2[%dma_start3A_123, %dma_start3A_124] : memref<1000001x64xf32, #tpu.memory_space<hbm>> -> memref<1000001x64xf32, #tpu.memory_space<hbm>>
    tpu.enqueue_indirect_dma source(%dma_start3A_125 : memref<1000001x64xf32, #tpu.memory_space<hbm>>) target(%arg9 : memref<400x64xf32, #tpu.memory_space<vmem>>) offsets(%dma_start3A_122 : memref<400xi32, #tpu.memory_space<vmem>>) semaphore(%arg13 : memref<!tpu.dma_semaphore, #tpu.memory_space<semaphore_mem>>)
    %dma_wait3A_126 = arith.constant 0 : i32
    %dma_wait3A_127 = tpu.memref_slice %arg5[%dma_wait3A_126] : memref<25600xi32, #tpu.memory_space<vmem>> -> memref<400xi32, #tpu.memory_space<vmem>>
    %dma_wait3A_128 = arith.constant 0 : i32
    %dma_wait3A_129 = arith.constant 0 : i32
    %dma_wait3A_130 = tpu.memref_slice %arg2[%dma_wait3A_128, %dma_wait3A_129] : memref<1000001x64xf32, #tpu.memory_space<hbm>> -> memref<1000001x64xf32, #tpu.memory_space<hbm>>
    tpu.wait_indirect_dma semaphore(%arg11 : memref<!tpu.dma_semaphore, #tpu.memory_space<semaphore_mem>>) src(%dma_wait3A_130 : memref<1000001x64xf32, #tpu.memory_space<hbm>>) dst(%arg7 : memref<400x64xf32, #tpu.memory_space<vmem>>)
    %add3A_131 = arith.constant 24400 : i32
    %add3A_132 = arith.addi %mul3A_2, %add3A_131 : i32
    %dma_start3A_133 = arith.constant 0 : i32
    %dma_start3A_134 = tpu.memref_slice %arg4[%add3A_132, %dma_start3A_133] : memref<819200x64xf32, #tpu.memory_space<hbm>> -> memref<400x64xf32, #tpu.memory_space<hbm>>
    %dma_start3A_135 = arith.constant 0 : i32
    %dma_start3A_136 = tpu.memref_slice %arg4[%add3A_132, %dma_start3A_135] : memref<819200x64xf32, #tpu.memory_space<hbm>> -> memref<400x64xf32, #tpu.memory_space<hbm>>
    tpu.enqueue_dma source(%arg7 : memref<400x64xf32, #tpu.memory_space<vmem>>) target(%dma_start3A_136 : memref<400x64xf32, #tpu.memory_space<hbm>>) target_semaphore(%arg15 : memref<!tpu.dma_semaphore, #tpu.memory_space<semaphore_mem>>)
    %dma_wait3A_137 = arith.constant 0 : i32
    %dma_wait3A_138 = tpu.memref_slice %arg5[%dma_wait3A_137] : memref<25600xi32, #tpu.memory_space<vmem>> -> memref<400xi32, #tpu.memory_space<vmem>>
    %dma_wait3A_139 = arith.constant 0 : i32
    %dma_wait3A_140 = arith.constant 0 : i32
    %dma_wait3A_141 = tpu.memref_slice %arg2[%dma_wait3A_139, %dma_wait3A_140] : memref<1000001x64xf32, #tpu.memory_space<hbm>> -> memref<1000001x64xf32, #tpu.memory_space<hbm>>
    tpu.wait_indirect_dma semaphore(%arg12 : memref<!tpu.dma_semaphore, #tpu.memory_space<semaphore_mem>>) src(%dma_wait3A_141 : memref<1000001x64xf32, #tpu.memory_space<hbm>>) dst(%arg8 : memref<400x64xf32, #tpu.memory_space<vmem>>)
    %add3A_142 = arith.constant 24800 : i32
    %add3A_143 = arith.addi %mul3A_2, %add3A_142 : i32
    %dma_start3A_144 = arith.constant 0 : i32
    %dma_start3A_145 = tpu.memref_slice %arg4[%add3A_143, %dma_start3A_144] : memref<819200x64xf32, #tpu.memory_space<hbm>> -> memref<400x64xf32, #tpu.memory_space<hbm>>
    %dma_start3A_146 = arith.constant 0 : i32
    %dma_start3A_147 = tpu.memref_slice %arg4[%add3A_143, %dma_start3A_146] : memref<819200x64xf32, #tpu.memory_space<hbm>> -> memref<400x64xf32, #tpu.memory_space<hbm>>
    tpu.enqueue_dma source(%arg8 : memref<400x64xf32, #tpu.memory_space<vmem>>) target(%dma_start3A_147 : memref<400x64xf32, #tpu.memory_space<hbm>>) target_semaphore(%arg16 : memref<!tpu.dma_semaphore, #tpu.memory_space<semaphore_mem>>)
    %dma_wait3A_148 = arith.constant 0 : i32
    %dma_wait3A_149 = tpu.memref_slice %arg5[%dma_wait3A_148] : memref<25600xi32, #tpu.memory_space<vmem>> -> memref<400xi32, #tpu.memory_space<vmem>>
    %dma_wait3A_150 = arith.constant 0 : i32
    %dma_wait3A_151 = arith.constant 0 : i32
    %dma_wait3A_152 = tpu.memref_slice %arg2[%dma_wait3A_150, %dma_wait3A_151] : memref<1000001x64xf32, #tpu.memory_space<hbm>> -> memref<1000001x64xf32, #tpu.memory_space<hbm>>
    tpu.wait_indirect_dma semaphore(%arg13 : memref<!tpu.dma_semaphore, #tpu.memory_space<semaphore_mem>>) src(%dma_wait3A_152 : memref<1000001x64xf32, #tpu.memory_space<hbm>>) dst(%arg9 : memref<400x64xf32, #tpu.memory_space<vmem>>)
    %add3A_153 = arith.constant 25200 : i32
    %add3A_154 = arith.addi %mul3A_2, %add3A_153 : i32
    %dma_start3A_155 = arith.constant 0 : i32
    %dma_start3A_156 = tpu.memref_slice %arg4[%add3A_154, %dma_start3A_155] : memref<819200x64xf32, #tpu.memory_space<hbm>> -> memref<400x64xf32, #tpu.memory_space<hbm>>
    %dma_start3A_157 = arith.constant 0 : i32
    %dma_start3A_158 = tpu.memref_slice %arg4[%add3A_154, %dma_start3A_157] : memref<819200x64xf32, #tpu.memory_space<hbm>> -> memref<400x64xf32, #tpu.memory_space<hbm>>
    tpu.enqueue_dma source(%arg9 : memref<400x64xf32, #tpu.memory_space<vmem>>) target(%dma_start3A_158 : memref<400x64xf32, #tpu.memory_space<hbm>>) target_semaphore(%arg17 : memref<!tpu.dma_semaphore, #tpu.memory_space<semaphore_mem>>)
    %add3A_159 = arith.constant 24000 : i32
    %add3A_160 = arith.addi %mul3A_2, %add3A_159 : i32
    %dma_wait3A_161 = arith.constant 0 : i32
    %dma_wait3A_162 = tpu.memref_slice %arg4[%add3A_160, %dma_wait3A_161] : memref<819200x64xf32, #tpu.memory_space<hbm>> -> memref<400x64xf32, #tpu.memory_space<hbm>>
    %dma_wait3A_163 = arith.constant 0 : i32
    %dma_wait3A_164 = tpu.memref_slice %arg4[%add3A_160, %dma_wait3A_163] : memref<819200x64xf32, #tpu.memory_space<hbm>> -> memref<400x64xf32, #tpu.memory_space<hbm>>
    tpu.wait_dma2 semaphore(%arg14 : memref<!tpu.dma_semaphore, #tpu.memory_space<semaphore_mem>>) src(%arg6 : memref<400x64xf32, #tpu.memory_space<vmem>>) dst(%dma_wait3A_164 : memref<400x64xf32, #tpu.memory_space<hbm>>)
    %add3A_165 = arith.constant 24400 : i32
    %add3A_166 = arith.addi %mul3A_2, %add3A_165 : i32
    %dma_wait3A_167 = arith.constant 0 : i32
    %dma_wait3A_168 = tpu.memref_slice %arg4[%add3A_166, %dma_wait3A_167] : memref<819200x64xf32, #tpu.memory_space<hbm>> -> memref<400x64xf32, #tpu.memory_space<hbm>>
    %dma_wait3A_169 = arith.constant 0 : i32
    %dma_wait3A_170 = tpu.memref_slice %arg4[%add3A_166, %dma_wait3A_169] : memref<819200x64xf32, #tpu.memory_space<hbm>> -> memref<400x64xf32, #tpu.memory_space<hbm>>
    tpu.wait_dma2 semaphore(%arg15 : memref<!tpu.dma_semaphore, #tpu.memory_space<semaphore_mem>>) src(%arg7 : memref<400x64xf32, #tpu.memory_space<vmem>>) dst(%dma_wait3A_170 : memref<400x64xf32, #tpu.memory_space<hbm>>)
    %add3A_171 = arith.constant 24800 : i32
    %add3A_172 = arith.addi %mul3A_2, %add3A_171 : i32
    %dma_wait3A_173 = arith.constant 0 : i32
    %dma_wait3A_174 = tpu.memref_slice %arg4[%add3A_172, %dma_wait3A_173] : memref<819200x64xf32, #tpu.memory_space<hbm>> -> memref<400x64xf32, #tpu.memory_space<hbm>>
    %dma_wait3A_175 = arith.constant 0 : i32
    %dma_wait3A_176 = tpu.memref_slice %arg4[%add3A_172, %dma_wait3A_175] : memref<819200x64xf32, #tpu.memory_space<hbm>> -> memref<400x64xf32, #tpu.memory_space<hbm>>
    tpu.wait_dma2 semaphore(%arg16 : memref<!tpu.dma_semaphore, #tpu.memory_space<semaphore_mem>>) src(%arg8 : memref<400x64xf32, #tpu.memory_space<vmem>>) dst(%dma_wait3A_176 : memref<400x64xf32, #tpu.memory_space<hbm>>)
    %add3A_177 = arith.constant 25200 : i32
    %add3A_178 = arith.addi %mul3A_2, %add3A_177 : i32
    %dma_wait3A_179 = arith.constant 0 : i32
    %dma_wait3A_180 = tpu.memref_slice %arg4[%add3A_178, %dma_wait3A_179] : memref<819200x64xf32, #tpu.memory_space<hbm>> -> memref<400x64xf32, #tpu.memory_space<hbm>>
    %dma_wait3A_181 = arith.constant 0 : i32
    %dma_wait3A_182 = tpu.memref_slice %arg4[%add3A_178, %dma_wait3A_181] : memref<819200x64xf32, #tpu.memory_space<hbm>> -> memref<400x64xf32, #tpu.memory_space<hbm>>
    tpu.wait_dma2 semaphore(%arg17 : memref<!tpu.dma_semaphore, #tpu.memory_space<semaphore_mem>>) src(%arg9 : memref<400x64xf32, #tpu.memory_space<vmem>>) dst(%dma_wait3A_182 : memref<400x64xf32, #tpu.memory_space<hbm>>)
    return
  }
}

</mosaic_0001>

<sc_bundles>
// kernel: _embed.3.cloned.1.call-start
scs
__scs_entry_jumppad:
0x0: {  	(pc) =	sbr.rel $0x88, $3  }
0x1: {  	(tag) =	ssettag $0x0;
	lr =	simm.s32 $0x1  }
0x2: {  	[smem:$0x3F9F] =	sst lr;
	_ =	strace $0xD0000000  }
0x3: {  	_ = 	snop  }
0x4: {  	_ = 	snop  }
0x5: {  	_ = 	snop  }
0x6: {  	_ = 	snop  }
0x7: {  	_ = 	snop  }
__scs_overlays_trampoline_lowered:
0x8: {  	[smem:$0x3FAE] =	sst s0  }
0x9: {  	[smem:$0x3FAF] =	sst s1  }
0xa: {  	[smem:$0x3FB0] =	sst s2  }
0xb: {  	[smem:$0x3FB1] =	sst s3  }
0xc: {  	[smem:$0x3FB2] =	sst s4  }
0xd: {  	[smem:$0x3FB3] =	sst s5  }
0xe: {  	[smem:$0x3FB4] =	sst s6  }
0xf: {  	[smem:$0x3FB5] =	sst s7  }
0x10: {  	[smem:$0x3FB6] =	sst s8  }
0x11: {  	[smem:$0x3FB7] =	sst s9;
	s0 =	simm.s32 @!p0 $0x0  }
0x12: {  	s1 =	sld [smem:$0x3F9D];
	s0 =	simm.s32 @p0 $0x1  }
0x13: {  	[smem:$0x3FB8] =	sst s0;
	s0 =	simm.s32 @!p1 $0x0  }
0x14: {  	s2 =	sld [smem:$0x3F9C];
	s0 =	simm.s32 @p1 $0x1  }
0x15: {  	[smem:$0x3FB9] =	sst s0;
	s0 =	simm.s32 @!p2 $0x0  }
0x16: {  	s3 =	sld [smem:$0x3FDB];
	s0 =	simm.s32 @p2 $0x1  }
0x17: {  	s4 =	simm.s32 $0x1BF5;
	[smem:$0x3FBB] =	sst s0  }
0x18: {  	s0 =	sld [smem:$0x3F9E];
	_ =	swait.ge [sflag:s4], $0x0  }
0x19: {  	s7 =	sld [smem:$0x3F9F]  }
0x1a: {  	s8 =	sadd.s32 $0xFFFFE003, lr  }
0x1b: {  	s9 =	sadd.s32 $0xFFFFFEF7, lr;
	s5 =	simm.s32 $0xFFFFFFFF;
	p2 =	slt.u32 s8, $0xFFFFF086  }
0x1c: {  	p1 =	slt.u32 s9, $0xF7A;
	s5 =	simm.s32 @!p2 $0x0  }
0x1d: {  	s5 =	simm.s32 @p1 $0x1;
	p0 =	seq.s32 s7, s2  }
0x1e: {  	s7 =	smul.u32 @!p0 $0xF7A, s2;
	p2 =	seq.s32 @!p0 s5, $0x0  }
0x1f: {  	s9 =	smul.u32 $0xF7A, s1;
	s8 =	simm.s32 @!p0 $0x1BF5;
	p2 =	por !p2, p0  }
0x20: {  	[sflag:s8] =	ssyncset.s32 @!p0 $0xFFFFF086;
	s6 =	sadd.s32 @!p0 s3, s7;
	s7 =	simm.s32 @!p0 $0x108  }
0x21: {  	s3 =	sadd.s32 s3, s9;
	s6 =	sadd.s32 @!p0 $0x88, s6;
	s7 =	simm.s32 @p2 $0x1082  }
0x22: {  	[simem:s7], [sflag:s8] =	dma.local @!p0 [hbm:s6], $0xF7A  }
0x23: {  	s9 =	sor.u32 $0xD0000000, s2;
	s6 =	simm.s32 $0x108;
	_ =	swait.ge @!p0 [sflag:s8], $0x0  }
0x24: {  	s3 =	sadd.s32 $0x88, s3;
	s6 =	simm.s32 @!p1 $0x1082;
	[sflag:s4] =	ssyncset.s32 $0xFFFFF086  }
0x25: {  	[simem:s6], [sflag:s4] =	dma.local [hbm:s3], $0xF7A  }
0x26: {  	[smem:$0x3F9F] =	sst s1;
	(tag) =	ssettag s2;
	_ =	strace s9  }
0x27: {  	s1 =	sld [smem:$0x3FAF]  }
0x28: {  	s2 =	sld [smem:$0x3FB0]  }
0x29: {  	s4 =	sld [smem:$0x3FB2]  }
0x2a: {  	p0 =	seq.s32 s5, $0x0;
	s5 =	sld [smem:$0x3FB3]  }
0x2b: {  	s6 =	sld [smem:$0x3FB4]  }
0x2c: {  	s7 =	sld [smem:$0x3FB5]  }
0x2d: {  	s3 =	simm.s32 $0x108;
	s8 =	sld [smem:$0x3FB6]  }
0x2e: {  	s3 =	simm.s32 @!p0 $0x1082;
	s9 =	sld [smem:$0x3FB7]  }
0x2f: {  	lr =	sadd.s32 s0, s3;
	s0 =	sld [smem:$0x3FAE]  }
0x30: {  	s3 =	sld [smem:$0x3FB1]  }
0x31: {  	[smem:$0x3FBA] =	sst s10  }
0x32: {  	s10 =	sld [smem:$0x3FB8];
	_ =	sdelay $0x3  }
0x33: {  	p0 =	seq.s32 s10, $0x1;
	s10 =	sld [smem:$0x3FBA];
	_ =	sdelay $0x3  }
0x34: {  	[smem:$0x3FBA] =	sst s10  }
0x35: {  	s10 =	sld [smem:$0x3FB9];
	_ =	sdelay $0x3  }
0x36: {  	p1 =	seq.s32 s10, $0x1;
	s10 =	sld [smem:$0x3FBA];
	_ =	sdelay $0x3  }
0x37: {  	[smem:$0x3FBA] =	sst s10  }
0x38: {  	s10 =	sld [smem:$0x3FBB]  }
0x39: {  	_ = 	snop;
	(pc) =	sbr.ind lr, $3  }
0x3a: {  	_ = 	snop  }
0x3b: {  	_ = 	snop  }
0x3c: {  	p2 =	seq.s32 s10, $0x1;
	s10 =	sld [smem:$0x3FBA]  }
0x3d: {  	_ =	shalt  }
0x3e: {  	_ =	shalt  }
0x3f: {  	_ =	shalt  }
0x40: {  	_ =	shalt  }
0x41: {  	_ =	shalt  }
0x42: {  	_ =	shalt  }
0x43: {  	_ =	shalt  }
0x44: {  	_ =	shalt  }
0x45: {  	_ =	shalt  }
0x46: {  	_ =	shalt  }
0x47: {  	_ =	shalt  }
0x48: {  	_ =	shalt  }
0x49: {  	_ =	shalt  }
0x4a: {  	_ =	shalt  }
0x4b: {  	_ =	shalt  }
0x4c: {  	_ =	shalt  }
0x4d: {  	_ =	shalt  }
0x4e: {  	_ =	shalt  }
0x4f: {  	_ =	shalt  }
0x50: {  	_ =	shalt  }
0x51: {  	_ =	shalt  }
0x52: {  	_ =	shalt  }
0x53: {  	_ =	shalt  }
0x54: {  	_ =	shalt  }
0x55: {  	_ =	shalt  }
0x56: {  	_ =	shalt  }
0x57: {  	_ =	shalt  }
0x58: {  	_ =	shalt  }
0x59: {  	_ =	shalt  }
0x5a: {  	_ =	shalt  }
0x5b: {  	_ =	shalt  }
0x5c: {  	_ =	shalt  }
0x5d: {  	_ =	shalt  }
0x5e: {  	_ =	shalt  }
0x5f: {  	_ =	shalt  }
0x60: {  	_ =	shalt  }
0x61: {  	_ =	shalt  }
0x62: {  	_ =	shalt  }
0x63: {  	_ =	shalt  }
0x64: {  	_ =	shalt  }
0x65: {  	_ =	shalt  }
0x66: {  	_ =	shalt  }
0x67: {  	_ =	shalt  }
0x68: {  	_ =	shalt  }
0x69: {  	_ =	shalt  }
0x6a: {  	_ =	shalt  }
0x6b: {  	_ =	shalt  }
0x6c: {  	_ =	shalt  }
0x6d: {  	_ =	shalt  }
0x6e: {  	_ =	shalt  }
0x6f: {  	_ =	shalt  }
0x70: {  	_ =	shalt  }
0x71: {  	_ =	shalt  }
0x72: {  	_ =	shalt  }
0x73: {  	_ =	shalt  }
0x74: {  	_ =	shalt  }
0x75: {  	_ =	shalt  }
0x76: {  	_ =	shalt  }
0x77: {  	_ =	shalt  }
0x78: {  	_ =	shalt  }
0x79: {  	_ =	shalt  }
0x7a: {  	_ =	shalt  }
0x7b: {  	_ =	shalt  }
0x7c: {  	_ =	shalt  }
0x7d: {  	_ =	shalt  }
0x7e: {  	_ =	shalt  }
0x7f: {  	_ =	shalt  }
0x80: {  	_ =	shalt  }
0x81: {  	_ =	shalt  }
0x82: {  	_ =	shalt  }
0x83: {  	_ =	shalt  }
0x84: {  	_ =	shalt  }
0x85: {  	_ =	shalt  }
0x86: {  	_ =	shalt  }
0x87: {  	_ =	shalt  }
.Lfunc_end0:
.L_simem_size_0:
called_computation.1_lowered:
.L_overlay_start_0:
0x88: {  	s2 =	sld [smem:$0x3FD9]  }
0x89: {  	s3 =	sld [smem:$0x3FFE];
	_ =	sdelay $0x1  }
0x8a: {  	s1 =	srdreg.scid  }
0x8b: {  	s0 =	sand.u32 $0x1, s1  }
0x8c: {  	s17 =	sshll.u32 s0, $0xA;
	s2 =	sadd.s32 s3, s2  }
0x8d: {  	s2 =	sadd.s32 s2, s17  }
0x8e: {  	[smem:$0x3FC6] =	sst s2  }
0x8f: {  	_ = 	snop  }
0x90: {  	s2 =	sld [smem:$0x3FC8]  }
0x91: {  	s18 =	sld [smem:$0x3FD0];
	(tm) =	ssettm $0x1  }
0x92: {  	s4 =	sld [smem:$0x3FFB];
	_ =	sdelay $0x3  }
0x93: {  	_ =	strace s4  }
0x94: {  	s4 =	sld [smem:$0x3FFC];
	_ =	sdelay $0x3  }
0x95: {  	_ =	strace s4  }
0x96: {  	s4 =	sld [smem:$0x3FFD];
	_ =	sdelay $0x3  }
0x97: {  	_ =	strace s4  }
0x98: {  	_ =	strace $0x8FFFFFFF  }
0x99: {  	s19 =	sld [smem:$0x3FDB];
	_ =	sdelay $0x1  }
0x9a: {  	s5 =	simm.s32 $_scs_section_size  }
0x9b: {  	s6 =	simm.s32 $_size__tile_overlayer_lowered;
	s7 =	simm.s32 $_tile_overlayer_lowered  }
0x9c: {  	s22 =	simm.s32 $0x1BFF;
	s21 =	sshll.u32 s7, $0x1;
	s4 =	sadd.s32 s5, s19  }
0x9d: {  	s8 =	simm.s32 $0x0;
	s20 =	sshll.u32 s6, $0x1;
	s6 =	sadd.s32 s21, s4  }
0x9e: {  	[timem:s8], [sflag:s22] =	dma.local [hbm:s6], s20  }
0x9f: {  	_ =	swait.ge [sflag:s22], s20  }
0xa0: {  	s5 =	ssub.s32 $0x0, s20;
	[sflag:s22] =	ssyncset.done $0x0  }
0xa1: {  	[sflag:s22] =	ssyncadd.s32 s5;
	_ =	sdelay $0x1  }
0xa2: {  	s23 =	simm.s32 $0x1B8B  }
0xa3: {  	_ =	swait.ge [sflag:s23], $0x1  }
0xa4: {  	[sflag:s23] =	ssyncset.done $0x0  }
0xa5: {  	s25 =	simm.s32 $0x1B8E;
	s24 =	sld [smem:$0x3FFE];
	[sflag:s23] =	ssyncadd.s32 $0xFFFFFFFF  }
0xa6: {  	s26 =	simm.s32 $execute0_lowered;
	[smem:$0x3FD2] =	sst s25  }
0xa7: {  	s6 =	sshll.u32 s26, $0x1;
	_ =	strace $0x80000046;
	[dreg:$0x1] =	wrdreg $0xFFFFFFFF  }
0xa8: {  	s28 =	simm.s32 $_size_execute0_lowered;
	s4 =	sadd.s32 s4, s6;
	[dreg:$0x0] =	wrdreg $0x0  }
0xa9: {  	s6 =	sshll.u32 s28, $0x1;
	[dreg:$0x2] =	wrdreg s4  }
0xaa: {  	[dreg:$0x3] =	wrdreg s6  }
0xab: {  	[dreg:$0x4] =	wrdreg $0xC0  }
0xac: {  	_ =	task [dreg:s8], $0x5FFFF  }
0xad: {  	[dreg:$0x1] =	wrdreg $0xFFFFFFFF  }
0xae: {  	[dreg:$0x0] =	wrdreg $0x60  }
0xaf: {  	[dreg:$0x2] =	wrdreg s24  }
0xb0: {  	[dreg:$0x3] =	wrdreg s2  }
0xb1: {  	[dreg:$0x4] =	wrdreg s18  }
0xb2: {  	[dreg:$0x5] =	wrdreg $0x9  }
0xb3: {  	_ =	task.clear_ibuf [dreg:s8], $0x6FFFF;
	_ =	strace $0x90000046  }
0xb4: {  	s29 =	simm.s32 $0x9;
	_ =	strace $0x80000048  }
0xb5: {  	_ =	swait.ge [sflag:s29], $0x1  }
0xb6: {  	[sflag:s29] =	ssyncadd.s32 $0xFFFFFFFF  }
0xb7: {  	_ =	strace $0x90000048  }
0xb8: {  	_ =	sfence  }
0xb9: {  	s30 =	sld [smem:$0x0];
	_ =	sdelay $0x2  }
0xba: {  	s31 =	sshll.u32 s1, $0xD;
	s1 =	sshrl.u32 s1, $0x2  }
0xbb: {  	s3 =	sand.u32 $0x4000, s31;
	s1 =	sadd.s32 s1, s30  }
0xbc: {  	s0 =	sor.u32 s3, s0;
	s1 =	sshll.u32 s1, $0x11  }
0xbd: {  	s0 =	sor.u32 s1, s0  }
0xbe: {  	s0 =	sadd.s32 $0x8F2B, s0  }
0xbf: {  	[sflag:s0] =	ssyncadd.remote.s32 $0x1  }
0xc0: {  	_ =	sfence.sel $0xFFFF  }
0xc1: {  	[dreg:$0x0] =	wrdreg $0xFFFFFFFF;
	(pc) =	sbr.abs _section_cstart, $3  }
0xc2: {  	[dreg:$0x1] =	wrdreg $0xFFFFFFFF  }
0xc3: {  	_ =	task.clear_ibuf [dreg:s8], $0x2FFFF;
	_ =	strace $0x9FFFFFFF  }
0xc4: {  	(tm) =	ssettm $0x7FFFFFFF  }
0xc5: {  	_ =	shalt  }
tec
execute0_lowered:
.L_overlay_start_1:
0x0: {  	(tag) =	ssettag $0x1  }
0x1: {  	s0 =	rddreg [dreg:$0x0]  }
0x2: {  	s1 =	srdreg.scid;
	s5 =	rddreg [dreg:$0x1]  }
0x3: {  	s11 =	stileid.u32;
	s6 =	rddreg [dreg:$0x2];
	s28 =	simm.s32 $0x2  }
0x4: {  	s1 =	sand.u32 $0x1, s1;
	s2 =	sshll.u32 s11, $0x1;
	s19 =	smul.u32 $0xC800, s11  }
0x5: {  	s3 =	sor.u32 s1, s2;
	s7 =	ssub.s32 $0x2, s1;
	s1 =	smul.u32 $0x6400, s1  }
0x6: {  	s29 =	simm.s32 $0x5;
	s31 =	simm.s32 $0x3;
	s4 =	smul.u32 $0x6400, s3  }
0x7: {  	s30 =	simm.s32 $0x8;
	s2 =	simm.s32 $0x0;
	s8 =	smul.u32 $0x32000, s3  }
0x8: {  	[smem:$0x7FF] =	sst s2;
	s9 =	sshrl.u32 s7, $0x1;
	s10 =	smul.u32 $0x190000, s3  }
0x9: {  	s3 =	sadd.s32 $0xF42E00, s0;
	s0 =	simm.s32 $0x0;
	_ =	strace $0x80000047  }
0xa: {  	s18 =	ssub.s32 s7, s9;
	s1 =	sadd.s32 s1, s19;
	s19 =	simm.s32 $0x190  }
0xb: {  	s20 =	sshrl.u32 s4, $0x3;
	s4 =	sadd.s32 s6, s8;
	s22 =	sshrl.u32 s10, $0x3  }
0xc: {  	s1 =	sshll.u32 s1, $0x3;
	s13 =	smax.u32 s18, $0x1;
	s5 =	sadd.s32 s5, s20  }
0xd: {  	s18 =	simm.s32 $0x9;
	s21 =	sadd.s32 $0xC80, s4;
	[dreg:$0x4] =	wrdreg s5  }
0xe: {  	s8 =	sadd.s32 $0x1900, s4;
	s1 =	sadd.s32 s6, s1;
	[dreg:$0x5] =	wrdreg s21  }
0xf: {  	s20 =	simm.s32 $0x6400;
	[dreg:$0x6] =	wrdreg s8;
	s5 =	sadd.s32 s6, s22  }
0x10: {  	s14 =	sadd.s32 $0x3E80, s1;
	s10 =	sadd.s32 $0x5780, s1;
	s23 =	sadd.s32 $0x2580, s5  }
0x11: {  	s16 =	sadd.s32 $0x3200, s1;
	s24 =	sadd.s32 $0x2EE00, s5;
	[dreg:$0x7] =	wrdreg s23  }
0x12: {  	s17 =	sadd.s32 $0x4B00, s1;
	s25 =	sadd.s32 $0x2FA80, s5;
	[dreg:$0x8] =	wrdreg s24  }
0x13: {  	s21 =	simm.s32 $0xC800;
	s26 =	sadd.s32 $0x30700, s5;
	[dreg:$0x9] =	wrdreg s25  }
0x14: {  	s1 =	simm.s32 $0x6;
	s5 =	sadd.s32 $0x31380, s5;
	[dreg:$0xa] =	wrdreg s26  }
0x15: {  	s22 =	simm.s32 $0x4;
	[dreg:$0xb] =	wrdreg s5;
	s23 =	simm.s32 $0x12C00  }
0x16: {  	s24 =	simm.s32 $0x1;
	s26 =	simm.s32 $0x19000;
	s25 =	simm.s32 $0x7  }
.LBB2_1:
0x17: {  	s5 =	rddreg [dreg:$0x4]  }
0x18: {  	[tilespmem:s2], [sflag:$0x9] =	stream.linear.gather [hbm4b:s5+s2], $0x6400, $0x38;
	[tilespmem:$0x1F400] =	vst v63  }
0x19: {  	_ =	swait.ge [sflag:s18], $0x6400  }
0x1a: {  	[sflag:s18] =	ssyncset.done $0x0  }
0x1b: {  	[sflag:s18] =	ssyncadd.s32 $0xFFFF9C00  }
0x1c: {  	[tilespmem:s20], [sflag:$0x1] =	stream.indirect.gather [hbm4b:s3+s19], $0x40, s2, s19, $0xb8;
	[tilespmem:$0x1F400] =	vst v63  }
0x1d: {  	_ = 	snop  }
0x1e: {  	[tilespmem:s21], [sflag:$0x2] =	stream.indirect.gather [hbm4b:s3+s19], $0x40, s19, s19, $0xb8;
	[tilespmem:$0x1F400] =	vst v63  }
0x1f: {  	s9 =	simm.s32 $0x320  }
0x20: {  	[tilespmem:s23], [sflag:$0x3] =	stream.indirect.gather [hbm4b:s3+s19], $0x40, s9, s19, $0xb8;
	[tilespmem:$0x1F400] =	vst v63  }
0x21: {  	_ =	swait.ge [sflag:s24], $0x6400  }
0x22: {  	[sflag:s24] =	ssyncset.done $0x0  }
0x23: {  	[sflag:s24] =	ssyncadd.s32 $0xFFFF9C00  }
0x24: {  	[hbm4b:s4+s2] =	stream.linear.scatter [tilespmem:s20], [sflag:$0x5], $0x6400, $0x38;
	[tilespmem:$0x1F400] =	vst v63  }
0x25: {  	s11 =	simm.s32 $0x4B0  }
0x26: {  	[tilespmem:s26], [sflag:$0x4] =	stream.indirect.gather [hbm4b:s3+s19], $0x40, s11, s19, $0xb8;
	[tilespmem:$0x1F400] =	vst v63  }
0x27: {  	_ =	swait.ge [sflag:s28], $0x6400  }
0x28: {  	[sflag:s28] =	ssyncset.done $0x0  }
0x29: {  	s12 =	rddreg [dreg:$0x5];
	[sflag:s28] =	ssyncadd.s32 $0xFFFF9C00  }
0x2a: {  	[hbm4b:s12+s2] =	stream.linear.scatter [tilespmem:s21], [sflag:$0x6], $0x6400, $0x38;
	[tilespmem:$0x1F400] =	vst v63  }
0x2b: {  	_ =	swait.ge [sflag:s29], $0x6400  }
0x2c: {  	[sflag:s29] =	ssyncset.done $0x0  }
0x2d: {  	s15 =	simm.s32 $0x640;
	[sflag:s29] =	ssyncadd.s32 $0xFFFF9C00  }
0x2e: {  	[tilespmem:s20], [sflag:$0x1] =	stream.indirect.gather [hbm4b:s3+s19], $0x40, s15, s19, $0xb8;
	[tilespmem:$0x1F400] =	vst v63  }
0x2f: {  	_ =	swait.ge [sflag:s31], $0x6400  }
0x30: {  	[sflag:s31] =	ssyncset.done $0x0  }
0x31: {  	s6 =	rddreg [dreg:$0x6];
	[sflag:s31] =	ssyncadd.s32 $0xFFFF9C00  }
0x32: {  	[hbm4b:s6+s2] =	stream.linear.scatter [tilespmem:s23], [sflag:$0x7], $0x6400, $0x38;
	[tilespmem:$0x1F400] =	vst v63  }
0x33: {  	_ =	swait.ge [sflag:s1], $0x6400  }
0x34: {  	[sflag:s1] =	ssyncset.done $0x0  }
0x35: {  	s7 =	simm.s32 $0x7D0;
	[sflag:s1] =	ssyncadd.s32 $0xFFFF9C00  }
0x36: {  	[tilespmem:s21], [sflag:$0x2] =	stream.indirect.gather [hbm4b:s3+s19], $0x40, s7, s19, $0xb8;
	[tilespmem:$0x1F400] =	vst v63  }
0x37: {  	_ =	swait.ge [sflag:s22], $0x6400  }
0x38: {  	[sflag:s22] =	ssyncset.done $0x0  }
0x39: {  	s8 =	rddreg [dreg:$0x7];
	[sflag:s22] =	ssyncadd.s32 $0xFFFF9C00  }
0x3a: {  	[hbm4b:s8+s2] =	stream.linear.scatter [tilespmem:s26], [sflag:$0x8], $0x6400, $0x38;
	[tilespmem:$0x1F400] =	vst v63  }
0x3b: {  	_ =	swait.ge [sflag:s25], $0x6400  }
0x3c: {  	[sflag:s25] =	ssyncset.done $0x0  }
0x3d: {  	s9 =	simm.s32 $0x960;
	[sflag:s25] =	ssyncadd.s32 $0xFFFF9C00  }
0x3e: {  	[tilespmem:s23], [sflag:$0x3] =	stream.indirect.gather [hbm4b:s3+s19], $0x40, s9, s19, $0xb8;
	[tilespmem:$0x1F400] =	vst v63  }
0x3f: {  	_ =	swait.ge [sflag:s24], $0x6400  }
0x40: {  	[sflag:s24] =	ssyncset.done $0x0  }
0x41: {  	[sflag:s24] =	ssyncadd.s32 $0xFFFF9C00  }
0x42: {  	[hbm4b:s16+s2] =	stream.linear.scatter [tilespmem:s20], [sflag:$0x5], $0x6400, $0x38;
	[tilespmem:$0x1F400] =	vst v63  }
0x43: {  	_ =	swait.ge [sflag:s30], $0x6400  }
0x44: {  	[sflag:s30] =	ssyncset.done $0x0  }
0x45: {  	s11 =	simm.s32 $0xAF0;
	[sflag:s30] =	ssyncadd.s32 $0xFFFF9C00  }
0x46: {  	[tilespmem:s26], [sflag:$0x4] =	stream.indirect.gather [hbm4b:s3+s19], $0x40, s11, s19, $0xb8;
	[tilespmem:$0x1F400] =	vst v63  }
0x47: {  	_ =	swait.ge [sflag:s28], $0x6400  }
0x48: {  	[sflag:s28] =	ssyncset.done $0x0  }
0x49: {  	[sflag:s28] =	ssyncadd.s32 $0xFFFF9C00  }
0x4a: {  	[hbm4b:s14+s2] =	stream.linear.scatter [tilespmem:s21], [sflag:$0x6], $0x6400, $0x38;
	[tilespmem:$0x1F400] =	vst v63  }
0x4b: {  	_ =	swait.ge [sflag:s29], $0x6400  }
0x4c: {  	[sflag:s29] =	ssyncset.done $0x0  }
0x4d: {  	s12 =	simm.s32 $0xC80;
	[sflag:s29] =	ssyncadd.s32 $0xFFFF9C00  }
0x4e: {  	[tilespmem:s20], [sflag:$0x1] =	stream.indirect.gather [hbm4b:s3+s19], $0x40, s12, s19, $0xb8;
	[tilespmem:$0x1F400] =	vst v63  }
0x4f: {  	_ =	swait.ge [sflag:s31], $0x6400  }
0x50: {  	[sflag:s31] =	ssyncset.done $0x0  }
0x51: {  	[sflag:s31] =	ssyncadd.s32 $0xFFFF9C00  }
0x52: {  	[hbm4b:s17+s2] =	stream.linear.scatter [tilespmem:s23], [sflag:$0x7], $0x6400, $0x38;
	[tilespmem:$0x1F400] =	vst v63  }
0x53: {  	_ =	swait.ge [sflag:s1], $0x6400  }
0x54: {  	[sflag:s1] =	ssyncset.done $0x0  }
0x55: {  	s15 =	simm.s32 $0xE10;
	[sflag:s1] =	ssyncadd.s32 $0xFFFF9C00  }
0x56: {  	[tilespmem:s21], [sflag:$0x2] =	stream.indirect.gather [hbm4b:s3+s19], $0x40, s15, s19, $0xb8;
	[tilespmem:$0x1F400] =	vst v63  }
0x57: {  	s5 =	simm.s32 $0x1900;
	s6 =	sadd.s32 $0x3200, s16;
	_ =	swait.ge [sflag:s22], $0x6400  }
0x58: {  	s7 =	sadd.s32 $0x3200, s17;
	s8 =	sadd.s32 $0x3200, s14;
	[sflag:s22] =	ssyncset.done $0x0  }
0x59: {  	s9 =	sadd.s32 $0x3200, s10;
	s15 =	smov.u32 s10;
	[sflag:s22] =	ssyncadd.s32 $0xFFFF9C00  }
.LBB2_2:
0x5a: {  	[hbm4b:s15+s2] =	stream.linear.scatter [tilespmem:s26], [sflag:$0x8], $0x6400, $0x38;
	[tilespmem:$0x1F400] =	vst v63  }
0x5b: {  	s11 =	smov.u32 s5;
	s15 =	smov.u32 s9  }
0x5c: {  	p0 =	sne.s32 s5, $0x14500;
	s5 =	sadd.s32 $0x1900, s5;
	_ =	swait.ge [sflag:s25], $0x6400  }
0x5d: {  	s11 =	sshra.s32 s11, $0x2;
	[sflag:s25] =	ssyncset.done $0x0  }
0x5e: {  	s12 =	sadd.s32 $0x960, s11;
	[sflag:s25] =	ssyncadd.s32 $0xFFFF9C00  }
0x5f: {  	[tilespmem:s23], [sflag:$0x3] =	stream.indirect.gather [hbm4b:s3+s19], $0x40, s12, s19, $0xb8;
	[tilespmem:$0x1F400] =	vst v63  }
0x60: {  	_ =	swait.ge [sflag:s24], $0x6400  }
0x61: {  	[sflag:s24] =	ssyncset.done $0x0  }
0x62: {  	[sflag:s24] =	ssyncadd.s32 $0xFFFF9C00  }
0x63: {  	[hbm4b:s6+s2] =	stream.linear.scatter [tilespmem:s20], [sflag:$0x5], $0x6400, $0x38;
	[tilespmem:$0x1F400] =	vst v63  }
0x64: {  	_ =	swait.ge [sflag:s30], $0x6400  }
0x65: {  	[sflag:s30] =	ssyncset.done $0x0  }
0x66: {  	s12 =	sadd.s32 $0xAF0, s11;
	[sflag:s30] =	ssyncadd.s32 $0xFFFF9C00  }
0x67: {  	[tilespmem:s26], [sflag:$0x4] =	stream.indirect.gather [hbm4b:s3+s19], $0x40, s12, s19, $0xb8;
	[tilespmem:$0x1F400] =	vst v63  }
0x68: {  	_ =	swait.ge [sflag:s28], $0x6400  }
0x69: {  	[sflag:s28] =	ssyncset.done $0x0  }
0x6a: {  	[sflag:s28] =	ssyncadd.s32 $0xFFFF9C00  }
0x6b: {  	[hbm4b:s8+s2] =	stream.linear.scatter [tilespmem:s21], [sflag:$0x6], $0x6400, $0x38;
	[tilespmem:$0x1F400] =	vst v63  }
0x6c: {  	_ =	swait.ge [sflag:s29], $0x6400  }
0x6d: {  	[sflag:s29] =	ssyncset.done $0x0  }
0x6e: {  	s12 =	sadd.s32 $0xC80, s11;
	[sflag:s29] =	ssyncadd.s32 $0xFFFF9C00  }
0x6f: {  	[tilespmem:s20], [sflag:$0x1] =	stream.indirect.gather [hbm4b:s3+s19], $0x40, s12, s19, $0xb8;
	[tilespmem:$0x1F400] =	vst v63  }
0x70: {  	_ =	swait.ge [sflag:s31], $0x6400  }
0x71: {  	[sflag:s31] =	ssyncset.done $0x0  }
0x72: {  	[sflag:s31] =	ssyncadd.s32 $0xFFFF9C00  }
0x73: {  	[hbm4b:s7+s2] =	stream.linear.scatter [tilespmem:s23], [sflag:$0x7], $0x6400, $0x38;
	[tilespmem:$0x1F400] =	vst v63  }
0x74: {  	_ =	swait.ge [sflag:s1], $0x6400  }
0x75: {  	[sflag:s1] =	ssyncset.done $0x0  }
.Ltmp0:
0x76: {  	s11 =	sadd.s32 $0xE10, s11;
	[sflag:s1] =	ssyncadd.s32 $0xFFFF9C00;
	(pc) =	sbr.rel @p0 .LBB2_2-.Ltmp0, $4  }
0x77: {  	[tilespmem:s21], [sflag:$0x2] =	stream.indirect.gather [hbm4b:s3+s19], $0x40, s11, s19, $0xb8;
	[tilespmem:$0x1F400] =	vst v63  }
0x78: {  	_ =	swait.ge [sflag:s22], $0x6400  }
0x79: {  	s6 =	sadd.s32 $0x3200, s6;
	s7 =	sadd.s32 $0x3200, s7;
	[sflag:s22] =	ssyncset.done $0x0  }
0x7a: {  	s9 =	sadd.s32 $0x3200, s9;
	s8 =	sadd.s32 $0x3200, s8;
	[sflag:s22] =	ssyncadd.s32 $0xFFFF9C00  }
0x7b: {  	[hbm4b:s15+s2] =	stream.linear.scatter [tilespmem:s26], [sflag:$0x8], $0x6400, $0x38;
	[tilespmem:$0x1F400] =	vst v63  }
0x7c: {  	_ =	swait.ge [sflag:s25], $0x6400  }
0x7d: {  	[sflag:s25] =	ssyncset.done $0x0  }
0x7e: {  	s5 =	simm.s32 $0x60E0;
	[sflag:s25] =	ssyncadd.s32 $0xFFFF9C00  }
0x7f: {  	[tilespmem:s23], [sflag:$0x3] =	stream.indirect.gather [hbm4b:s3+s19], $0x40, s5, s19, $0xb8;
	[tilespmem:$0x1F400] =	vst v63  }
0x80: {  	_ =	swait.ge [sflag:s24], $0x6400  }
0x81: {  	[sflag:s24] =	ssyncset.done $0x0  }
0x82: {  	s8 =	rddreg [dreg:$0x8];
	[sflag:s24] =	ssyncadd.s32 $0xFFFF9C00  }
0x83: {  	[hbm4b:s8+s2] =	stream.linear.scatter [tilespmem:s20], [sflag:$0x5], $0x6400, $0x38;
	[tilespmem:$0x1F400] =	vst v63  }
0x84: {  	_ =	swait.ge [sflag:s30], $0x6400  }
0x85: {  	[sflag:s30] =	ssyncset.done $0x0  }
0x86: {  	s9 =	simm.s32 $0x6270;
	[sflag:s30] =	ssyncadd.s32 $0xFFFF9C00  }
0x87: {  	[tilespmem:s26], [sflag:$0x4] =	stream.indirect.gather [hbm4b:s3+s19], $0x40, s9, s19, $0xb8;
	[tilespmem:$0x1F400] =	vst v63  }
0x88: {  	_ =	swait.ge [sflag:s28], $0x6400  }
0x89: {  	[sflag:s28] =	ssyncset.done $0x0  }
0x8a: {  	s11 =	rddreg [dreg:$0x9];
	[sflag:s28] =	ssyncadd.s32 $0xFFFF9C00  }
0x8b: {  	[hbm4b:s11+s2] =	stream.linear.scatter [tilespmem:s21], [sflag:$0x6], $0x6400, $0x38;
	[tilespmem:$0x1F400] =	vst v63  }
0x8c: {  	_ =	swait.ge [sflag:s31], $0x6400  }
0x8d: {  	[sflag:s31] =	ssyncset.done $0x0  }
0x8e: {  	s12 =	rddreg [dreg:$0xa];
	[sflag:s31] =	ssyncadd.s32 $0xFFFF9C00  }
0x8f: {  	[hbm4b:s12+s2] =	stream.linear.scatter [tilespmem:s23], [sflag:$0x7], $0x6400, $0x38;
	[tilespmem:$0x1F400] =	vst v63  }
0x90: {  	_ =	swait.ge [sflag:s22], $0x6400  }
0x91: {  	[sflag:s22] =	ssyncset.done $0x0  }
0x92: {  	s15 =	rddreg [dreg:$0xb];
	[sflag:s22] =	ssyncadd.s32 $0xFFFF9C00  }
0x93: {  	[hbm4b:s15+s2] =	stream.linear.scatter [tilespmem:s26], [sflag:$0x8], $0x6400, $0x38;
	[tilespmem:$0x1F400] =	vst v63  }
0x94: {  	_ =	swait.ge [sflag:s29], $0x6400  }
0x95: {  	[sflag:s29] =	ssyncset.done $0x0  }
0x96: {  	[sflag:s29] =	ssyncadd.s32 $0xFFFF9C00  }
0x97: {  	_ =	swait.ge [sflag:s1], $0x6400  }
0x98: {  	[sflag:s1] =	ssyncset.done $0x0  }
0x99: {  	s0 =	sadd.s32 $0x1, s0;
	[sflag:s1] =	ssyncadd.s32 $0xFFFF9C00  }
0x9a: {  	p0 =	sne.s32 s0, s13;
	_ =	swait.ge [sflag:s25], $0x6400  }
.Ltmp1:
0x9b: {  	[sflag:s25] =	ssyncset.done $0x0;
	(pc) =	sbr.rel @p0 .LBB2_1-.Ltmp1, $4  }
0x9c: {  	[sflag:s25] =	ssyncadd.s32 $0xFFFF9C00  }
0x9d: {  	_ =	swait.ge [sflag:s30], $0x6400  }
0x9e: {  	[sflag:s30] =	ssyncset.done $0x0  }
0x9f: {  	[sflag:s30] =	ssyncadd.s32 $0xFFFF9C00  }
0xa0: {  	_ =	sfence.sel $0x180000  }
0xa1: {  	[bflag:$0x0] =	sbarrier.arrive $0xFFFF  }
0xa2: {  	_ =	strace $0x90000047  }
0xa3: {  	s0 =	stileid.u32;
	[bflag:$0x2] =	sbarrier.arrive $0xFFFF  }
0xa4: {  	p0 =	sne.s32 s0, $0x0;
	s0 =	rddreg [dreg:$0x3]  }
0xa5: {  	s0 =	sadd.s32 @!p0 $0x100000, s0  }
0xa6: {  	[sflag:s0] =	ssyncadd.tile.s32 @!p0 $0x1;
	_ =	shalt  }
.Lfunc_end2:
_tile_overlayer_lowered:
.L_overlay_start_2:
0xa7: {  	(tag) =	ssettag $0x2  }
0xa8: {  	s0 =	rddreg [dreg:$0x0];
	s2 =	stileid.u32  }
0xa9: {  	s1 =	rddreg [dreg:$0x1];
	p0 =	sne.s32 s2, $0x0  }
0xaa: {  	s3 =	rddreg [dreg:$0x2];
	[bflag:$0x3] =	sbarrier.arrive $0xFFFF;
	s2 =	simm.s32 @!p0 $0x1C09  }
0xab: {  	[timem:s3], [sflag:s2] =	dma.local @!p0 [hbm:s0], s1  }
0xac: {  	s0 =	simm.s32 @!p0 $0x9  }
0xad: {  	_ =	swait.ge @!p0 [sflag:s0], s1  }
0xae: {  	s1 =	ssub.s32 @!p0 $0x0, s1;
	[sflag:s0] =	ssyncset.done @!p0 $0x0  }
0xaf: {  	[sflag:s0] =	ssyncadd.s32 @!p0 s1  }
0xb0: {  	[bflag:$0x3] =	sbarrier.arrive $0xFFFF  }
0xb1: {  	_ =	shalt  }

// kernel: sparse-core-data-format-call.cloned.1.call-start
scs
called_computation_lowered:
.L_overlay_start_0:
0x0: {  	s2 =	sld [smem:$0x3FD9]  }
0x1: {  	s3 =	sld [smem:$0x3FFE];
	_ =	sdelay $0x1  }
0x2: {  	s1 =	srdreg.scid  }
0x3: {  	s0 =	sand.u32 $0x1, s1  }
0x4: {  	s18 =	sshll.u32 s0, $0xA;
	s2 =	sadd.s32 s3, s2  }
0x5: {  	s2 =	sadd.s32 s2, s18  }
0x6: {  	[smem:$0x3FC6] =	sst s2  }
0x7: {  	_ = 	snop  }
0x8: {  	s2 =	sld [smem:$0x3FD0];
	(tm) =	ssettm $0x1  }
0x9: {  	s19 =	sld [smem:$0x3FFB];
	_ =	sdelay $0x3  }
0xa: {  	_ =	strace s19  }
0xb: {  	s3 =	sld [smem:$0x3FFC];
	_ =	sdelay $0x3  }
0xc: {  	_ =	strace s3  }
0xd: {  	s3 =	sld [smem:$0x3FFD];
	_ =	sdelay $0x3  }
0xe: {  	_ =	strace s3  }
0xf: {  	_ =	strace $0x8FFFFFFF  }
0x10: {  	s20 =	sld [smem:$0x3FDB];
	_ =	sdelay $0x1  }
0x11: {  	s4 =	simm.s32 $_scs_section_size  }
0x12: {  	s5 =	simm.s32 $_size__tile_overlayer_lowered;
	s6 =	simm.s32 $_tile_overlayer_lowered  }
0x13: {  	s23 =	simm.s32 $0x1BFF;
	s22 =	sshll.u32 s6, $0x1;
	s3 =	sadd.s32 s4, s20  }
0x14: {  	s7 =	simm.s32 $0x0;
	s21 =	sshll.u32 s5, $0x1;
	s5 =	sadd.s32 s22, s3  }
0x15: {  	[timem:s7], [sflag:s23] =	dma.local [hbm:s5], s21  }
0x16: {  	_ =	swait.ge [sflag:s23], s21  }
0x17: {  	s4 =	ssub.s32 $0x0, s21;
	[sflag:s23] =	ssyncset.done $0x0  }
0x18: {  	[sflag:s23] =	ssyncadd.s32 s4;
	_ =	sdelay $0x1  }
0x19: {  	s24 =	simm.s32 $0x1B8B  }
0x1a: {  	_ =	swait.ge [sflag:s24], $0x1  }
0x1b: {  	[sflag:s24] =	ssyncset.done $0x0  }
0x1c: {  	s26 =	simm.s32 $0x1B8E;
	s25 =	sld [smem:$0x3FFE];
	[sflag:s24] =	ssyncadd.s32 $0xFFFFFFFF  }
0x1d: {  	s27 =	simm.s32 $execute0_lowered;
	[smem:$0x3FD2] =	sst s26  }
0x1e: {  	s5 =	sshll.u32 s27, $0x1;
	_ =	strace $0x80000049;
	[dreg:$0x1] =	wrdreg $0xFFFFFFFF  }
0x1f: {  	s28 =	simm.s32 $_size_execute0_lowered;
	s3 =	sadd.s32 s3, s5;
	[dreg:$0x0] =	wrdreg $0x0  }
0x20: {  	s5 =	sshll.u32 s28, $0x1;
	[dreg:$0x2] =	wrdreg s3  }
0x21: {  	[dreg:$0x3] =	wrdreg s5  }
0x22: {  	[dreg:$0x4] =	wrdreg $0xC0  }
0x23: {  	_ =	task [dreg:s7], $0x5FFFF  }
0x24: {  	[dreg:$0x1] =	wrdreg $0xFFFFFFFF  }
0x25: {  	[dreg:$0x0] =	wrdreg $0x60  }
0x26: {  	[dreg:$0x2] =	wrdreg s25  }
0x27: {  	[dreg:$0x3] =	wrdreg s2  }
0x28: {  	[dreg:$0x4] =	wrdreg $0x9  }
0x29: {  	_ =	task.clear_ibuf [dreg:s7], $0x5FFFF;
	_ =	strace $0x90000049  }
0x2a: {  	s29 =	simm.s32 $0x9;
	_ =	strace $0x8000004B  }
0x2b: {  	_ =	swait.ge [sflag:s29], $0x1  }
0x2c: {  	[sflag:s29] =	ssyncadd.s32 $0xFFFFFFFF  }
0x2d: {  	_ =	strace $0x9000004B  }
0x2e: {  	_ =	sfence  }
0x2f: {  	s30 =	sld [smem:$0x0];
	_ =	sdelay $0x2  }
0x30: {  	s31 =	sshll.u32 s1, $0xD;
	s1 =	sshrl.u32 s1, $0x2  }
0x31: {  	s3 =	sand.u32 $0x4000, s31;
	s1 =	sadd.s32 s1, s30  }
0x32: {  	s0 =	sor.u32 s3, s0;
	s1 =	sshll.u32 s1, $0x11  }
0x33: {  	s0 =	sor.u32 s1, s0  }
0x34: {  	s0 =	sadd.s32 $0x8F2B, s0  }
0x35: {  	[sflag:s0] =	ssyncadd.remote.s32 $0x1  }
0x36: {  	_ =	sfence.sel $0xFFFF  }
0x37: {  	[dreg:$0x0] =	wrdreg $0xFFFFFFFF;
	(pc) =	sbr.abs _section_cstart, $3  }
0x38: {  	[dreg:$0x1] =	wrdreg $0xFFFFFFFF  }
0x39: {  	_ =	task.clear_ibuf [dreg:s7], $0x2FFFF;
	_ =	strace $0x9FFFFFFF  }
0x3a: {  	(tm) =	ssettm $0x7FFFFFFF  }
0x3b: {  	_ =	shalt  }
tec
execute0_lowered:
.L_overlay_start_1:
0x0: {  	(tag) =	ssettag $0x1  }
0x1: {  	s0 =	srdreg.scid  }
0x2: {  	s1 =	sshll.u32 s0, $0x4  }
0x3: {  	s4 =	rddreg [dreg:$0x0];
	s0 =	stileid.u32;
	s1 =	sand.u32 $0x10, s1  }
0x4: {  	s2 =	rddreg [dreg:$0x1];
	s7 =	simm.s32 $0x1;
	s1 =	sor.u32 s0, s1  }
0x5: {  	s8 =	simm.s32 $0x2;
	s11 =	simm.s32 $0x0;
	s3 =	sshll.u32 s1, $0x7  }
0x6: {  	s10 =	simm.s32 $0x0;
	s4 =	sadd.s32 $0x800, s4;
	s6 =	ssub.s32 $0xC8000, s3  }
.Ltmp0:
0x7: {  	s1 =	rddreg [dreg:$0x2];
	s5 =	sand.u32 $0xF80, s6;
	(pc) =	sbr.rel .LBB1_1-.Ltmp0, $4  }
0x8: {  	_ =	strace $0x8000004A;
	s9 =	smov.u32 s3;
	p0 =	sne.s32 s5, $0x0  }
0x9: {  	s6 =	sshrl.u32 s6, $0xC;
	s5 =	simm.s32 $0x1;
	s7 =	simm.s32 @!p0 $0x0  }
0xa: {  	[sflag:s5] =	ssyncpa.u1 $0x0;
	p0 =	por $0x0, $0x0;
	s6 =	sadd.s32 s7, s6  }
0xb: {  	[sflag:s8] =	ssyncpa.u1 $0x0;
	s8 =	simm.s32 $0x640000;
	s7 =	sadd.s32 $0x1, s6  }
.LBB1_4:
0xc: {  	s14 =	sshll.u32 s11, $0x3  }
0xd: {  	s30 =	sand.u32 $0x7F, s11;
	s15 =	sand.u32 $0xFFFFFC00, s14  }
0xe: {  	s11 =	sor.u32 s30, s15  }
0xf: {  	s15 =	smulhi.u32 $0x51EB851F, s11  }
0x10: {  	s14 =	smulhi.u32 $0x51EB851F, s14  }
0x11: {  	s15 =	sshrl.u32 s15, $0x12  }
0x12: {  	s14 =	sshrl.u32 s14, $0x12;
	s15 =	smul.u32 $0xC8000, s15  }
0x13: {  	s14 =	sand.u32 $0x3F, s14  }
0x14: {  	s14 =	smul.u32 $0x19000, s14;
	s11 =	ssub.s32 s11, s15  }
0x15: {  	[tilespmem:s13+$0x810 ss:$0x81] =	vst.msk $0xffff, v2;
	s15 =	sand.u32 $0x7, s11  }
0x16: {  	[tilespmem:s13+$0x1020 ss:$0x81] =	vst.msk $0xffff, v0;
	s14 =	sadd.s32 s2, s14;
	s11 =	sshrl.u32 s11, $0x3;
	s15 =	sshll.u32 s15, $0x12  }
0x17: {  	[tilespmem:s13+$0x0 ss:$0x81] =	vst.msk $0xffff, v1;
	s11 =	sadd.s32 s11, s14;
	s31 =	sor.u32 $0x400, s15  }
0x18: {  	[hbm4b:s11+s31] =	stream.strided.scatter [tilespmem:s12], [sflag:$0x2], $0x2000, s8, s31, $0x20;
	[tilespmem:$0x8080] =	vst v63  }
.LBB1_5:
0x19: {  	s13 =	sadd.s32 $0x1000, s9  }
0x1a: {  	p2 =	sgt.s32 s13, $0xC7FFF  }
0x1b: {  	s13 =	smov.u32 @p2 s3;
	p2 =	sne.s32 s10, s7  }
.Ltmp1:
0x1c: {  	p1 =	slt.u32 s10, $0x2;
	(pc) =	sbr.rel @!p2 .LBB1_6-.Ltmp1, $4  }
0x1d: {  	s12 =	simm.s32 @!p1 $0x2  }
0x1e: {  	s14 =	sadd.s32 $0x1, s10;
	_ =	swait.ge @!p1 [sflag:s12], $0x2000  }
0x1f: {  	s11 =	smov.u32 s9;
	p0 =	por !p0, !p0;
	[sflag:s12] =	ssyncset.done @!p1 $0x0  }
0x20: {  	s10 =	smov.u32 s14;
	s9 =	smov.u32 s13;
	[sflag:s12] =	ssyncadd.s32 @!p1 $0xFFFFE000  }
.LBB1_1:
0x21: {  	p1 =	sge.u32 s10, s6  }
0x22: {  	s12 =	sand.u32 @!p1 $0x1FFFFFF, s9  }
0x23: {  	s13 =	smulhi.u32 @!p1 $0x147AE15, s12;
	_ =	sdelay $0x1  }
0x24: {  	s13 =	sshrl.u32 @!p1 s13, $0xC  }
0x25: {  	s13 =	smul.u32 @!p1 $0xC8000, s13;
	_ =	sdelay $0x1  }
0x26: {  	s31 =	sadd.s32 $0xFFFFFFFF, s10;
	s14 =	sxor.u32 @!p1 $0xFFFFFFFF, s10;
	s12 =	ssub.s32 @!p1 s12, s13  }
0x27: {  	s15 =	simm.s32 @!p1 $0x80;
	s14 =	sshll.u32 @!p1 s14, $0xD;
	s12 =	sshll.u32 @!p1 s12, $0x4  }
0x28: {  	s13 =	sand.u32 @!p1 $0x2000, s14;
	s14 =	simm.s32 @!p1 $0x40;
	s12 =	sadd.s32 @!p1 s4, s12  }
0x29: {  	[tilespmem:s13], [sflag:$0x1] =	stream.strided.gather @!p1 [hbm4b:s12+s14], $0x2000, s15, s14, $0x38;
	[tilespmem:$0x8080] =	vst v63  }
0x2a: {  	p1 =	sge.u32 s31, s6  }
.Ltmp2:
0x2b: {  	_ = 	snop;
	(pc) =	sbr.rel @p1 .LBB1_5-.Ltmp2, $1  }
0x2c: {  	_ =	sdelay $0x3  }
0x2d: {  	s12 =	simm.s32 $0x1  }
0x2e: {  	_ =	swait.ge [sflag:s5], $0x2000;
	s12 =	simm.s32 @!p0 $0x0  }
0x2f: {  	[sflag:s5] =	ssyncset.done $0x0;
	s13 =	sshll.u32 s12, $0xD  }
0x30: {  	[sflag:s5] =	ssyncadd.s32 $0xFFFFE000;
	s16 =	sor.u32 $0x20, s13  }
0x31: {  	s12 =	smul.u32 $0x8100, s12;
	v3 =	vld [tilespmem:s16+$0x10]  }
0x32: {  	s30 =	sand.u32 $0x1, s10;
	v2 =	vld [tilespmem:s16+$0xFFFFFFF0]  }
0x33: {  	s13 =	smul.u32 $0x8100, s30;
	s12 =	sshrl.u32 s12, $0x2;
	v0 =	vld [tilespmem:s16+$0x0]  }
0x34: {  	v1 =	vld [tilespmem:s16+$0xFFFFFFE0];
	s14 =	sor.u32 $0x4000, s12  }
0x35: {  	s31 =	sshrl.u32 s13, $0x2;
	s13 =	sadd.s32 $0x0, s14  }
0x36: {  	s15 =	simm.s32 $0x4;
	s16 =	sadd.s32 $0x40, s16;
	s12 =	sor.u32 $0x4000, s31;
	[tilespmem:s13+$0x1830 ss:$0x81] =	vst.msk $0xffff, v3  }
.LBB1_3:
0x37: {  	v3 =	vld [tilespmem:s16+$0x10];
	p1 =	sne.s32 s15, $0x1FC;
	[tilespmem:s13+$0x810 ss:$0x81] =	vst.msk $0xffff, v2;
	s17 =	smov.u32 s15;
	s15 =	sadd.s32 $0x4, s15  }
.Ltmp3:
0x38: {  	v2 =	vld [tilespmem:s16+$0xFFFFFFF0];
	[tilespmem:s13+$0x1020 ss:$0x81] =	vst.msk $0xffff, v0;
	(pc) =	sbr.rel @p1 .LBB1_3-.Ltmp3, $4  }
0x39: {  	v0 =	vld [tilespmem:s16+$0x0];
	[tilespmem:s13+$0x0 ss:$0x81] =	vst.msk $0xffff, v1  }
0x3a: {  	s13 =	sshra.s32 s17, $0x2;
	v1 =	vld [tilespmem:s16+$0xFFFFFFE0]  }
0x3b: {  	s13 =	sadd.s32 s13, s14  }
0x3c: {  	s16 =	sadd.s32 $0x40, s16;
	[tilespmem:s13+$0x1830 ss:$0x81] =	vst.msk $0xffff, v3  }
.Ltmp4:
0x3d: {  	_ = 	snop;
	(pc) =	sbr.rel .LBB1_4-.Ltmp4, $1  }
0x3e: {  	_ =	sdelay $0x3  }
.LBB1_6:
0x3f: {  	_ =	sfence.sel $0x180000  }
0x40: {  	s2 =	simm.s32 $0x1;
	[bflag:$0x0] =	sbarrier.arrive $0xFFFF  }
0x41: {  	s31 =	simm.s32 $0x2;
	[sflag:s2] =	ssyncpa.u1 $0x1  }
0x42: {  	[sflag:s31] =	ssyncpa.u1 $0x1  }
0x43: {  	p0 =	sne.s32 s0, $0x0;
	_ =	strace $0x9000004A  }
0x44: {  	s0 =	sadd.s32 @!p0 $0x100000, s1;
	[bflag:$0x2] =	sbarrier.arrive $0xFFFF  }
0x45: {  	[sflag:s0] =	ssyncadd.tile.s32 @!p0 $0x1;
	_ =	shalt  }
.Lfunc_end1:
_tile_overlayer_lowered:
.L_overlay_start_2:
0x46: {  	(tag) =	ssettag $0x2  }
0x47: {  	s0 =	rddreg [dreg:$0x0];
	s2 =	stileid.u32  }
0x48: {  	s1 =	rddreg [dreg:$0x1];
	p0 =	sne.s32 s2, $0x0  }
0x49: {  	s3 =	rddreg [dreg:$0x2];
	[bflag:$0x3] =	sbarrier.arrive $0xFFFF;
	s2 =	simm.s32 @!p0 $0x1C01  }
0x4a: {  	[timem:s3], [sflag:s2] =	dma.local @!p0 [hbm:s0], s1  }
0x4b: {  	s0 =	simm.s32 @!p0 $0x1  }
0x4c: {  	_ =	swait.ge @!p0 [sflag:s0], s1  }
0x4d: {  	s1 =	ssub.s32 @!p0 $0x0, s1;
	[sflag:s0] =	ssyncset.done @!p0 $0x0  }
0x4e: {  	[sflag:s0] =	ssyncadd.s32 @!p0 s1  }
0x4f: {  	[bflag:$0x3] =	sbarrier.arrive $0xFFFF  }
0x50: {  	_ =	shalt  }

</sc_bundles>
